<compile_context>
chip_gen: v7x
topology: tpu7x:2x2x1
jax: 0.10.2.dev20260603
libtpu: 0.0.44.dev20260713+nightly
codegen_flags: <defaults>
</compile_context>

<pallas_src>
import jax
import jax.numpy as jnp
from jax import lax
from jax.experimental import pallas as pl
from jax.experimental.pallas import tpu as pltpu
from jax.experimental.pallas import tpu_sc as plsc

NC = 2
NS = 16
LANES = 16



def _zero_fill(ref, rows, cols):
    zv = jnp.zeros((LANES,), jnp.float32)
    cpr = cols // LANES

    def body(i, c):
        r = i // cpr
        col = (i % cpr) * LANES
        ref[r, pl.ds(col, LANES)] = zv
        return c

    lax.fori_loop(0, rows * cpr, body, 0)


def _make_edge_agg(n_nodes, n_edges, n_ch):
    nw = NC * NS
    epw = n_edges // nw
    K = 80
    assert n_edges % nw == 0 and epw % K == 0
    nchunks = epw // K
    stripe = n_nodes // NS
    assert n_nodes % NS == 0 and stripe % 8 == 0
    zr = 128
    assert stripe % zr == 0

    mesh = plsc.VectorSubcoreMesh(core_axis_name="c", subcore_axis_name="s")

    nbuf = 3
    scratch = [
        [pltpu.VMEM((K,), jnp.int32) for _ in range(nbuf)],
        [pltpu.VMEM((K,), jnp.int32) for _ in range(nbuf)],
        [pltpu.VMEM((K, n_ch), jnp.float32) for _ in range(nbuf)],
        pltpu.VMEM((zr, n_ch), jnp.float32),
        pltpu.VMEM_SHARED((n_nodes, n_ch), jnp.float32),
        [pltpu.SemaphoreType.DMA for _ in range(nbuf)],
        [pltpu.SemaphoreType.DMA for _ in range(nbuf)],
    ]

    def body(table_hbm, src_hbm, dst_hbm, out_hbm,
             src_v, dst_v, rows_v, z_v, acc_sh, gsem, ssem):
        cid = lax.axis_index("c")
        sid = lax.axis_index("s")
        wid = sid * NC + cid

        _zero_fill(z_v, zr, n_ch)
        def zcopy(j, c):
            pltpu.sync_copy(z_v, acc_sh.at[pl.ds(sid * stripe + j * zr, zr)])
            return c
        lax.fori_loop(0, stripe // zr, zcopy, 0)

        plsc.subcore_barrier()

        base = wid * epw

        def start(g, b):
            off = pl.multiple_of(base + g * K, 8)
            pltpu.sync_copy(dst_hbm.at[pl.ds(off, K)], dst_v[b])
            pltpu.sync_copy(src_hbm.at[pl.ds(off, K)], src_v[b])
            pltpu.async_copy(table_hbm.at[src_v[b]], rows_v[b], gsem[b])

        def finish(b):
            pltpu.make_async_copy(table_hbm.at[src_v[b]], rows_v[b],
                                  gsem[b]).wait()
            pltpu.async_copy(rows_v[b], acc_sh.at[dst_v[b]], ssem[b],
                             add=True)

        def wait_scatter(b):
            pltpu.make_async_copy(rows_v[b], acc_sh.at[dst_v[b]],
                                  ssem[b]).wait()

        la = nbuf - 1
        for g in range(la):
            start(g, g)

        start(la, la % nbuf)
        finish(0)

        def outer(g0, c):
            for db in range(nbuf):
                g = g0 + db
                b = (1 + db) % nbuf

                @pl.when(g < nchunks)
                def _():
                    @pl.when(g + la < nchunks)
                    def _():
                        nb = (b + la) % nbuf
                        wait_scatter(nb)
                        start(g + la, nb)
                    finish(b)
            return c
        lax.fori_loop(0, (nchunks - 1 + nbuf - 1) // nbuf,
                      lambda i, c: outer(1 + i * nbuf, c), 0)

        for b in range(nbuf):
            wait_scatter(b)

        plsc.subcore_barrier()

        row0 = sid * stripe
        pltpu.sync_copy(acc_sh.at[pl.ds(row0, stripe)],
                        out_hbm.at[cid, pl.ds(row0, stripe)])

    return pl.kernel(
        body,
        out_type=jax.ShapeDtypeStruct((NC, n_nodes, n_ch), jnp.float32),
        mesh=mesh,
        scratch_types=scratch,
    )


def _make_deg_hist(n_nodes, n_edges):
    nw = NC * NS
    epw = n_edges // nw
    K = 80
    assert n_edges % nw == 0 and epw % K == 0
    nchunks = epw // K
    stripe = n_nodes // NS
    assert n_nodes % NS == 0 and stripe % 8 == 0

    mesh = plsc.VectorSubcoreMesh(core_axis_name="c", subcore_axis_name="s")

    nbuf = 3

    def body(dst_hbm, out_hbm, dst_v, ones_v, z_v, acc_sh, sem):
        cid = lax.axis_index("c")
        sid = lax.axis_index("s")
        wid = sid * NC + cid
        zv = jnp.zeros((LANES,), jnp.float32)
        ov = jnp.ones((LANES,), jnp.float32)

        def zf(i, c):
            z_v[pl.ds(i * LANES, LANES)] = zv
            return c
        lax.fori_loop(0, stripe // LANES, zf, 0)

        def of(i, c):
            ones_v[pl.ds(i * LANES, LANES)] = ov
            return c
        lax.fori_loop(0, K // LANES, of, 0)

        pltpu.sync_copy(z_v, acc_sh.at[pl.ds(sid * stripe, stripe)])
        plsc.subcore_barrier()

        base = wid * epw

        def start(g, b):
            off = pl.multiple_of(base + g * K, 8)
            pltpu.async_copy(dst_hbm.at[pl.ds(off, K)], dst_v[b], sem[b])

        def finish(g, b):
            off = pl.multiple_of(base + g * K, 8)
            pltpu.make_async_copy(dst_hbm.at[pl.ds(off, K)], dst_v[b],
                                  sem[b]).wait()
            pltpu.sync_copy(ones_v, acc_sh.at[dst_v[b]], add=True)

        la = nbuf - 1
        for g in range(la):
            start(g, g)

        def outer(g0, c):
            for b in range(nbuf):
                g = g0 + b

                @pl.when(g < nchunks)
                def _():
                    @pl.when(g + la < nchunks)
                    def _():
                        start(g + la, (b + la) % nbuf)
                    finish(g, b)
            return c
        lax.fori_loop(0, (nchunks + nbuf - 1) // nbuf,
                      lambda i, c: outer(i * nbuf, c), 0)

        plsc.subcore_barrier()
        pltpu.sync_copy(acc_sh.at[pl.ds(sid * stripe, stripe)],
                        out_hbm.at[cid, pl.ds(sid * stripe, stripe)])

    return pl.kernel(
        body,
        out_type=jax.ShapeDtypeStruct((NC, n_nodes), jnp.float32),
        mesh=mesh,
        scratch_types=[
            [pltpu.VMEM((K,), jnp.int32) for _ in range(nbuf)],
            pltpu.VMEM((K,), jnp.float32),
            pltpu.VMEM((stripe,), jnp.float32),
            pltpu.VMEM_SHARED((n_nodes,), jnp.float32),
            [pltpu.SemaphoreType.DMA for _ in range(nbuf)],
        ],
    )



def _scale_kernel(d0_ref, d1_ref, x_ref, dis_ref, xs_ref):
    deg = d0_ref[0] + d1_ref[0] + 1.0
    dis = lax.rsqrt(deg)
    dis_ref[...] = dis
    xs_ref[...] = x_ref[...] * dis


def _mlp_kernel(p0_ref, p1_ref, xs_ref, dis_ref, w1_ref, b1_ref, w2_ref,
                ts_ref):
    dis = dis_ref[...]
    a = dis * (p0_ref[0] + p1_ref[0] + xs_ref[...])
    h = jnp.maximum(
        jnp.dot(a, w1_ref[...], preferred_element_type=jnp.float32)
        + b1_ref[...], 0.0)
    t = jnp.dot(h, w2_ref[...], preferred_element_type=jnp.float32)
    br, oc = t.shape
    ts_ref[...] = jnp.concatenate(
        [dis * t, jnp.zeros((br, 128 - oc), jnp.float32)], axis=1)


def _out_kernel(q0_ref, q1_ref, ts_ref, dis_ref, b2_ref, o_ref):
    oc = o_ref.shape[1]
    v = (dis_ref[...] * (q0_ref[0, :, :oc] + q1_ref[0, :, :oc]
                         + ts_ref[:, :oc]) + b2_ref[...])
    m = jnp.max(v, axis=1, keepdims=True)
    e = jnp.exp(v - m)
    s = jnp.sum(e, axis=1, keepdims=True)
    o_ref[...] = v - m - jnp.log(s)


def _rows(br, c):
    return pl.BlockSpec((br, c), lambda i: (i, 0))


def _part(core, br, c):
    return pl.BlockSpec((1, br, c), lambda i, _core=core: (_core, i, 0))


def _full(shape):
    return pl.BlockSpec(shape, lambda i: tuple(0 for _ in shape))



def kernel(x, edge_index, W1, b1, W2, b2):
    n, in_ch = x.shape
    hid = W1.shape[1]
    out_ch = W2.shape[1]
    e = edge_index.shape[1]
    src = edge_index[0].astype(jnp.int32)
    dst = edge_index[1].astype(jnp.int32)

    align = NS * 128
    npad = ((n + align - 1) // align) * align

    br = 2000
    grid = (n // br,)

    degp = _make_deg_hist(npad, e)(dst).reshape(NC, npad, 1)

    dis, xs = pl.pallas_call(
        _scale_kernel,
        grid=grid,
        in_specs=[_part(0, br, 1), _part(1, br, 1), _rows(br, in_ch)],
        out_specs=[_rows(br, 1), _rows(br, in_ch)],
        out_shape=[jax.ShapeDtypeStruct((n, 1), jnp.float32),
                   jax.ShapeDtypeStruct((n, in_ch), jnp.float32)],
    )(degp, degp, x)

    p = _make_edge_agg(npad, e, in_ch)(xs, src, dst)

    ts = pl.pallas_call(
        _mlp_kernel,
        grid=grid,
        in_specs=[_part(0, br, in_ch), _part(1, br, in_ch), _rows(br, in_ch),
                  _rows(br, 1), _full((in_ch, hid)), _full((1, hid)),
                  _full((hid, out_ch))],
        out_specs=_rows(br, 128),
        out_shape=jax.ShapeDtypeStruct((n, 128), jnp.float32),
    )(p, p, xs, dis, W1, b1.reshape(1, hid), W2)

    q = _make_edge_agg(npad, e, 128)(ts, src, dst)

    out = pl.pallas_call(
        _out_kernel,
        grid=grid,
        in_specs=[_part(0, br, 128), _part(1, br, 128), _rows(br, 128),
                  _rows(br, 1), _full((1, out_ch))],
        out_specs=_rows(br, out_ch),
        out_shape=jax.ShapeDtypeStruct((n, out_ch), jnp.float32),
    )(q, q, ts, dis, b2.reshape(1, out_ch))

    return out

# --- scband reference (transcript-rebuilt; emitter-appended) ---
"""Pipeline reference for scband-prunable-gcn-47399259079110 (READ-ONLY COPY).

The authoritative reference and input builder live on the scoring server;
editing this copy changes nothing except your own understanding.
"""

import jax, jax.numpy as jnp
import numpy as np

N_NODES = 10000
N_EDGES = 320000
IN_CH = 128
HID_CH = 256
OUT_CH = 64


def setup_inputs(seed: int = 0) -> dict:
    key = jax.random.key(seed)
    k1, k2, k3, k4, k5, k6 = jax.random.split(key, 6)
    x = jax.random.normal(k1, (N_NODES, IN_CH), dtype=jnp.float32)
    edge_index = jax.random.randint(k2, (2, N_EDGES), 0, N_NODES, dtype=jnp.int64)
    # Glorot-init weights per GCNConv defaults, zero biases
    s1 = float(np.sqrt(6.0 / (IN_CH + HID_CH)))
    s2 = float(np.sqrt(6.0 / (HID_CH + OUT_CH)))
    W1 = jax.random.uniform(k3, (IN_CH, HID_CH), dtype=jnp.float32, minval=-s1, maxval=s1)
    b1 = jnp.zeros((HID_CH,), dtype=jnp.float32)
    W2 = jax.random.uniform(k4, (HID_CH, OUT_CH), dtype=jnp.float32, minval=-s2, maxval=s2)
    b2 = jnp.zeros((OUT_CH,), dtype=jnp.float32)
    return {"x": x, "edge_index": edge_index, "W1": W1, "b1": b1, "W2": W2, "b2": b2}


def _gcn_conv(x, src, dst, deg_inv_sqrt, W, b, num_nodes):
    # PyG GCNConv: out = D^{-1/2} (A + I) D^{-1/2} X W + b
    h = x @ W
    norm = deg_inv_sqrt[src] * deg_inv_sqrt[dst]
    msg = jnp.take(h, src, axis=0) * norm[:, None]
    out = jnp.zeros((num_nodes, W.shape[1]), dtype=h.dtype).at[dst].add(msg)
    return out + b


def reference(x, edge_index, W1, b1, W2, b2):
    num_nodes = x.shape[0]
    loop = jnp.arange(num_nodes, dtype=edge_index.dtype)
    src = jnp.concatenate([edge_index[0], loop])
    dst = jnp.concatenate([edge_index[1], loop])
    deg = jnp.zeros((num_nodes,), dtype=jnp.float32).at[dst].add(1.0)
    deg_inv_sqrt = jnp.where(deg > 0, deg ** -0.5, 0.0)
    h = _gcn_conv(x, src, dst, deg_inv_sqrt, W1, b1, num_nodes)
    h = jax.nn.relu(h)
    # dropout inactive in eval mode
    out = _gcn_conv(h, src, dst, deg_inv_sqrt, W2, b2, num_nodes)
    return jax.nn.log_softmax(out, axis=1)

if __name__ == "__main__":
    import jax
    _d = setup_inputs()
    print(jax.jit(kernel)(*tuple(_d.values())))

</pallas_src>

<mosaic_0001>
#map = affine_map<(d0, d1) -> (0, 0)>
#map1 = affine_map<(d0, d1) -> (0)>
#map2 = affine_map<(d0, d1) -> (0, 0, 0)>
module attributes {stable_mosaic.version = 14 : i64} {
  func.func @body(%arg0: i32, %arg1: i32, %arg2: memref<10000x128xf32, #tpu.memory_space<hbm>>, %arg3: memref<320000xi32, #tpu.memory_space<hbm>>, %arg4: memref<320000xi32, #tpu.memory_space<hbm>>, %arg5: memref<2x10240x128xf32, #tpu.memory_space<hbm>>, %arg6: memref<80xi32, #tpu.memory_space<vmem>>, %arg7: memref<80xi32, #tpu.memory_space<vmem>>, %arg8: memref<80xi32, #tpu.memory_space<vmem>>, %arg9: memref<80xi32, #tpu.memory_space<vmem>>, %arg10: memref<80xi32, #tpu.memory_space<vmem>>, %arg11: memref<80xi32, #tpu.memory_space<vmem>>, %arg12: memref<80x128xf32, #tpu.memory_space<vmem>>, %arg13: memref<80x128xf32, #tpu.memory_space<vmem>>, %arg14: memref<80x128xf32, #tpu.memory_space<vmem>>, %arg15: memref<128x128xf32, #tpu.memory_space<vmem>>, %arg16: memref<10240x128xf32, #tpu.memory_space<vmem_shared>>, %arg17: memref<!tpu.dma_semaphore, #tpu.memory_space<semaphore_mem>>, %arg18: memref<!tpu.dma_semaphore, #tpu.memory_space<semaphore_mem>>, %arg19: memref<!tpu.dma_semaphore, #tpu.memory_space<semaphore_mem>>, %arg20: memref<!tpu.dma_semaphore, #tpu.memory_space<semaphore_mem>>, %arg21: memref<!tpu.dma_semaphore, #tpu.memory_space<semaphore_mem>>, %arg22: memref<!tpu.dma_semaphore, #tpu.memory_space<semaphore_mem>>) attributes {dimension_semantics = [#tpu.dimension_semantics<core_parallel>, #tpu.dimension_semantics<subcore_parallel>], iteration_bounds = array<i64: 2, 16>, scalar_prefetch = 0 : i64, scratch_operands = 17 : i64, tpu.core_type = #tpu.core_type<sc_vector_subcore>, window_params = [{transform_indices = #map}, {transform_indices = #map1}, {transform_indices = #map1}, {transform_indices = #map2}]} {
    %mul3A = arith.constant 2 : i32
    %mul3A_0 = arith.muli %arg1, %mul3A : i32
    %add3A = arith.addi %mul3A_0, %arg0 : i32
    %broadcast_in_dim3A = arith.constant 0.000000e+00 : f32
    %broadcast_in_dim3A_1 = vector.broadcast %broadcast_in_dim3A : f32 to vector<16xf32>
    %scan3A = arith.constant 0 : i32
    %scan3A_2 = arith.constant 0 : i32
    %scan3A_3 = arith.constant 1024 : i32
    %scan3A_4 = arith.addi %scan3A_2, %scan3A_3 : i32
    %scan3A_5 = arith.constant 1 : i32
    scf.for %scan3A_54 = %scan3A_2 to %scan3A_4 step %scan3A_5  : i32 {
      %jit3A = arith.constant 8 : i32
      %div3A = arith.divsi %scan3A_54, %jit3A : i32
      %sign3A = arith.constant 0 : i32
      %sign3A_55 = arith.cmpi sgt, %scan3A_54, %sign3A : i32
      %sign3A_56 = arith.extui %sign3A_55 : i1 to i32
      %sign3A_57 = arith.constant 0 : i32
      %sign3A_58 = arith.cmpi slt, %scan3A_54, %sign3A_57 : i32
      %sign3A_59 = arith.extui %sign3A_58 : i1 to i32
      %sign3A_60 = arith.subi %sign3A_56, %sign3A_59 : i32
      %sign3A_61 = arith.constant 0 : i32
      %sign3A_62 = arith.cmpi sgt, %jit3A, %sign3A_61 : i32
      %sign3A_63 = arith.extui %sign3A_62 : i1 to i32
      %sign3A_64 = arith.constant 0 : i32
      %sign3A_65 = arith.cmpi slt, %jit3A, %sign3A_64 : i32
      %sign3A_66 = arith.extui %sign3A_65 : i1 to i32
      %sign3A_67 = arith.subi %sign3A_63, %sign3A_66 : i32
      %ne3A = arith.cmpi ne, %sign3A_60, %sign3A_67 : i32
      %rem3A = arith.remsi %scan3A_54, %jit3A : i32
      %ne3A_68 = arith.constant 0 : i32
      %ne3A_69 = arith.cmpi ne, %rem3A, %ne3A_68 : i32
      %and3A = arith.andi %ne3A, %ne3A_69 : i1
      %sub3A = arith.constant 1 : i32
      %sub3A_70 = arith.subi %div3A, %sub3A : i32
      %select_n3A = arith.select %and3A, %sub3A_70, %div3A : i32
      %jit3A_71 = arith.constant 8 : i32
      %eq3A = arith.constant 0 : i32
      %eq3A_72 = arith.cmpi eq, %jit3A_71, %eq3A : i32
      %jit3A_73 = arith.constant 1 : i32
      %select_n3A_74 = arith.select %eq3A_72, %jit3A_73, %jit3A_71 : i32
      %rem3A_75 = arith.remsi %scan3A_54, %select_n3A_74 : i32
      %ne3A_76 = arith.constant 0 : i32
      %ne3A_77 = arith.cmpi ne, %rem3A_75, %ne3A_76 : i32
      %lt3A = arith.constant 0 : i32
      %lt3A_78 = arith.cmpi slt, %rem3A_75, %lt3A : i32
      %lt3A_79 = arith.constant 0 : i32
      %lt3A_80 = arith.cmpi slt, %select_n3A_74, %lt3A_79 : i32
      %ne3A_81 = arith.xori %lt3A_78, %lt3A_80 : i1
      %and3A_82 = arith.andi %ne3A_81, %ne3A_77 : i1
      %add3A_83 = arith.addi %rem3A_75, %select_n3A_74 : i32
      %select_n3A_84 = arith.select %and3A_82, %add3A_83, %rem3A_75 : i32
      %mul3A_85 = arith.constant 16 : i32
      %mul3A_86 = arith.muli %select_n3A_84, %mul3A_85 : i32
      %swap3A = arith.index_cast %select_n3A : i32 to index
      %swap3A_87 = arith.index_cast %mul3A_86 : i32 to index
      %swap3A_88 = tpu.vector_load %arg15[%swap3A, %swap3A_87] {strides = array<i32>} : memref<128x128xf32, #tpu.memory_space<vmem>>, vector<1x16xf32>,
      %swap3A_89 = vector.shape_cast %swap3A_88 : vector<1x16xf32> to vector<16xf32>
      %swap3A_90 = vector.shape_cast %broadcast_in_dim3A_1 : vector<16xf32> to vector<1x16xf32>
      tpu.vector_store %arg15[%swap3A, %swap3A_87], %swap3A_90 {strides = array<i32>} : memref<128x128xf32, #tpu.memory_space<vmem>>, vector<1x16xf32>,
    }
    %scan3A_6 = arith.constant 1024 : i32
    %scan3A_7 = arith.constant 0 : i32
    %scan3A_8 = arith.constant 0 : i32
    %scan3A_9 = arith.constant 5 : i32
    %scan3A_10 = arith.addi %scan3A_8, %scan3A_9 : i32
    %scan3A_11 = arith.constant 1 : i32
    scf.for %scan3A_54 = %scan3A_8 to %scan3A_10 step %scan3A_11  : i32 {
      %mul3A_55 = arith.constant 640 : i32
      %mul3A_56 = arith.muli %arg1, %mul3A_55 : i32
      %mul3A_57 = arith.constant 128 : i32
      %mul3A_58 = arith.muli %scan3A_54, %mul3A_57 : i32
      %add3A_59 = arith.addi %mul3A_56, %mul3A_58 : i32
      "tpu.region"() ({
        %run_scoped3A = tpu.sem_alloc : memref<!tpu.dma_semaphore, #tpu.memory_space<semaphore_mem>>
        %dma_start3A_60 = arith.constant 0 : i32
        %dma_start3A_61 = tpu.memref_slice %arg16[%add3A_59, %dma_start3A_60] : memref<10240x128xf32, #tpu.memory_space<vmem_shared>> -> memref<128x128xf32, #tpu.memory_space<vmem_shared>>
        %dma_start3A_62 = arith.constant 0 : i32
        %dma_start3A_63 = tpu.memref_slice %arg16[%add3A_59, %dma_start3A_62] : memref<10240x128xf32, #tpu.memory_space<vmem_shared>> -> memref<128x128xf32, #tpu.memory_space<vmem_shared>>
        tpu.enqueue_dma source(%arg15 : memref<128x128xf32, #tpu.memory_space<vmem>>) target(%dma_start3A_63 : memref<128x128xf32, #tpu.memory_space<vmem_shared>>) target_semaphore(%run_scoped3A : memref<!tpu.dma_semaphore, #tpu.memory_space<semaphore_mem>>)
        %dma_wait3A_64 = arith.constant 0 : i32
        %dma_wait3A_65 = tpu.memref_slice %arg16[%add3A_59, %dma_wait3A_64] : memref<10240x128xf32, #tpu.memory_space<vmem_shared>> -> memref<128x128xf32, #tpu.memory_space<vmem_shared>>
        %dma_wait3A_66 = arith.constant 0 : i32
        %dma_wait3A_67 = tpu.memref_slice %arg16[%add3A_59, %dma_wait3A_66] : memref<10240x128xf32, #tpu.memory_space<vmem_shared>> -> memref<128x128xf32, #tpu.memory_space<vmem_shared>>
        tpu.wait_dma2 semaphore(%run_scoped3A : memref<!tpu.dma_semaphore, #tpu.memory_space<semaphore_mem>>) src(%arg15 : memref<128x128xf32, #tpu.memory_space<vmem>>) dst(%dma_wait3A_67 : memref<128x128xf32, #tpu.memory_space<vmem_shared>>)
        tpu.yield
      }) : () -> ()
    }
    %scan3A_12 = arith.constant 5 : i32
    %barrier3A = arith.constant 0 : index
    tpu.barrier barrier_id(%barrier3A)
    %mul3A_13 = arith.constant 10000 : i32
    %mul3A_14 = arith.muli %add3A, %mul3A_13 : i32
    %add3A_15 = arith.constant 0 : i32
    %add3A_16 = arith.addi %mul3A_14, %add3A_15 : i32
    %multiple_of3A = tpu.assume_multiple %add3A_16, 8 : i32
    "tpu.region"() ({
      %run_scoped3A = tpu.sem_alloc : memref<!tpu.dma_semaphore, #tpu.memory_space<semaphore_mem>>
      %dma_start3A_54 = tpu.memref_slice %arg4[%multiple_of3A] : memref<320000xi32, #tpu.memory_space<hbm>> -> memref<80xi32, #tpu.memory_space<hbm>>
      %dma_start3A_55 = tpu.memref_slice %arg4[%multiple_of3A] : memref<320000xi32, #tpu.memory_space<hbm>> -> memref<80xi32, #tpu.memory_space<hbm>>
      tpu.enqueue_dma source(%dma_start3A_55 : memref<80xi32, #tpu.memory_space<hbm>>) target(%arg9 : memref<80xi32, #tpu.memory_space<vmem>>) target_semaphore(%run_scoped3A : memref<!tpu.dma_semaphore, #tpu.memory_space<semaphore_mem>>)
      %dma_wait3A_56 = tpu.memref_slice %arg4[%multiple_of3A] : memref<320000xi32, #tpu.memory_space<hbm>> -> memref<80xi32, #tpu.memory_space<hbm>>
      %dma_wait3A_57 = tpu.memref_slice %arg4[%multiple_of3A] : memref<320000xi32, #tpu.memory_space<hbm>> -> memref<80xi32, #tpu.memory_space<hbm>>
      tpu.wait_dma2 semaphore(%run_scoped3A : memref<!tpu.dma_semaphore, #tpu.memory_space<semaphore_mem>>) src(%dma_wait3A_57 : memref<80xi32, #tpu.memory_space<hbm>>) dst(%arg9 : memref<80xi32, #tpu.memory_space<vmem>>)
      tpu.yield
    }) : () -> ()
    "tpu.region"() ({
      %run_scoped3A = tpu.sem_alloc : memref<!tpu.dma_semaphore, #tpu.memory_space<semaphore_mem>>
      %dma_start3A_54 = tpu.memref_slice %arg3[%multiple_of3A] : memref<320000xi32, #tpu.memory_space<hbm>> -> memref<80xi32, #tpu.memory_space<hbm>>
      %dma_start3A_55 = tpu.memref_slice %arg3[%multiple_of3A] : memref<320000xi32, #tpu.memory_space<hbm>> -> memref<80xi32, #tpu.memory_space<hbm>>
      tpu.enqueue_dma source(%dma_start3A_55 : memref<80xi32, #tpu.memory_space<hbm>>) target(%arg6 : memref<80xi32, #tpu.memory_space<vmem>>) target_semaphore(%run_scoped3A : memref<!tpu.dma_semaphore, #tpu.memory_space<semaphore_mem>>)
      %dma_wait3A_56 = tpu.memref_slice %arg3[%multiple_of3A] : memref<320000xi32, #tpu.memory_space<hbm>> -> memref<80xi32, #tpu.memory_space<hbm>>
      %dma_wait3A_57 = tpu.memref_slice %arg3[%multiple_of3A] : memref<320000xi32, #tpu.memory_space<hbm>> -> memref<80xi32, #tpu.memory_space<hbm>>
      tpu.wait_dma2 semaphore(%run_scoped3A : memref<!tpu.dma_semaphore, #tpu.memory_space<semaphore_mem>>) src(%dma_wait3A_57 : memref<80xi32, #tpu.memory_space<hbm>>) dst(%arg6 : memref<80xi32, #tpu.memory_space<vmem>>)
      tpu.yield
    }) : () -> ()
    %dma_start3A = arith.constant 0 : i32
    %dma_start3A_17 = arith.constant 0 : i32
    %dma_start3A_18 = tpu.memref_slice %arg2[%dma_start3A, %dma_start3A_17] : memref<10000x128xf32, #tpu.memory_space<hbm>> -> memref<10000x128xf32, #tpu.memory_space<hbm>>
    tpu.enqueue_indirect_dma source(%dma_start3A_18 : memref<10000x128xf32, #tpu.memory_space<hbm>>) target(%arg12 : memref<80x128xf32, #tpu.memory_space<vmem>>) offsets(%arg6 : memref<80xi32, #tpu.memory_space<vmem>>) semaphore(%arg17 : memref<!tpu.dma_semaphore, #tpu.memory_space<semaphore_mem>>)
    %add3A_19 = arith.constant 80 : i32
    %add3A_20 = arith.addi %mul3A_14, %add3A_19 : i32
    %multiple_of3A_21 = tpu.assume_multiple %add3A_20, 8 : i32
    "tpu.region"() ({
      %run_scoped3A = tpu.sem_alloc : memref<!tpu.dma_semaphore, #tpu.memory_space<semaphore_mem>>
      %dma_start3A_54 = tpu.memref_slice %arg4[%multiple_of3A_21] : memref<320000xi32, #tpu.memory_space<hbm>> -> memref<80xi32, #tpu.memory_space<hbm>>
      %dma_start3A_55 = tpu.memref_slice %arg4[%multiple_of3A_21] : memref<320000xi32, #tpu.memory_space<hbm>> -> memref<80xi32, #tpu.memory_space<hbm>>
      tpu.enqueue_dma source(%dma_start3A_55 : memref<80xi32, #tpu.memory_space<hbm>>) target(%arg10 : memref<80xi32, #tpu.memory_space<vmem>>) target_semaphore(%run_scoped3A : memref<!tpu.dma_semaphore, #tpu.memory_space<semaphore_mem>>)
      %dma_wait3A_56 = tpu.memref_slice %arg4[%multiple_of3A_21] : memref<320000xi32, #tpu.memory_space<hbm>> -> memref<80xi32, #tpu.memory_space<hbm>>
      %dma_wait3A_57 = tpu.memref_slice %arg4[%multiple_of3A_21] : memref<320000xi32, #tpu.memory_space<hbm>> -> memref<80xi32, #tpu.memory_space<hbm>>
      tpu.wait_dma2 semaphore(%run_scoped3A : memref<!tpu.dma_semaphore, #tpu.memory_space<semaphore_mem>>) src(%dma_wait3A_57 : memref<80xi32, #tpu.memory_space<hbm>>) dst(%arg10 : memref<80xi32, #tpu.memory_space<vmem>>)
      tpu.yield
    }) : () -> ()
    "tpu.region"() ({
      %run_scoped3A = tpu.sem_alloc : memref<!tpu.dma_semaphore, #tpu.memory_space<semaphore_mem>>
      %dma_start3A_54 = tpu.memref_slice %arg3[%multiple_of3A_21] : memref<320000xi32, #tpu.memory_space<hbm>> -> memref<80xi32, #tpu.memory_space<hbm>>
      %dma_start3A_55 = tpu.memref_slice %arg3[%multiple_of3A_21] : memref<320000xi32, #tpu.memory_space<hbm>> -> memref<80xi32, #tpu.memory_space<hbm>>
      tpu.enqueue_dma source(%dma_start3A_55 : memref<80xi32, #tpu.memory_space<hbm>>) target(%arg7 : memref<80xi32, #tpu.memory_space<vmem>>) target_semaphore(%run_scoped3A : memref<!tpu.dma_semaphore, #tpu.memory_space<semaphore_mem>>)
      %dma_wait3A_56 = tpu.memref_slice %arg3[%multiple_of3A_21] : memref<320000xi32, #tpu.memory_space<hbm>> -> memref<80xi32, #tpu.memory_space<hbm>>
      %dma_wait3A_57 = tpu.memref_slice %arg3[%multiple_of3A_21] : memref<320000xi32, #tpu.memory_space<hbm>> -> memref<80xi32, #tpu.memory_space<hbm>>
      tpu.wait_dma2 semaphore(%run_scoped3A : memref<!tpu.dma_semaphore, #tpu.memory_space<semaphore_mem>>) src(%dma_wait3A_57 : memref<80xi32, #tpu.memory_space<hbm>>) dst(%arg7 : memref<80xi32, #tpu.memory_space<vmem>>)
      tpu.yield
    }) : () -> ()
    %dma_start3A_22 = arith.constant 0 : i32
    %dma_start3A_23 = arith.constant 0 : i32
    %dma_start3A_24 = tpu.memref_slice %arg2[%dma_start3A_22, %dma_start3A_23] : memref<10000x128xf32, #tpu.memory_space<hbm>> -> memref<10000x128xf32, #tpu.memory_space<hbm>>
    tpu.enqueue_indirect_dma source(%dma_start3A_24 : memref<10000x128xf32, #tpu.memory_space<hbm>>) target(%arg13 : memref<80x128xf32, #tpu.memory_space<vmem>>) offsets(%arg7 : memref<80xi32, #tpu.memory_space<vmem>>) semaphore(%arg18 : memref<!tpu.dma_semaphore, #tpu.memory_space<semaphore_mem>>)
    %add3A_25 = arith.constant 160 : i32
    %add3A_26 = arith.addi %mul3A_14, %add3A_25 : i32
    %multiple_of3A_27 = tpu.assume_multiple %add3A_26, 8 : i32
    "tpu.region"() ({
      %run_scoped3A = tpu.sem_alloc : memref<!tpu.dma_semaphore, #tpu.memory_space<semaphore_mem>>
      %dma_start3A_54 = tpu.memref_slice %arg4[%multiple_of3A_27] : memref<320000xi32, #tpu.memory_space<hbm>> -> memref<80xi32, #tpu.memory_space<hbm>>
      %dma_start3A_55 = tpu.memref_slice %arg4[%multiple_of3A_27] : memref<320000xi32, #tpu.memory_space<hbm>> -> memref<80xi32, #tpu.memory_space<hbm>>
      tpu.enqueue_dma source(%dma_start3A_55 : memref<80xi32, #tpu.memory_space<hbm>>) target(%arg11 : memref<80xi32, #tpu.memory_space<vmem>>) target_semaphore(%run_scoped3A : memref<!tpu.dma_semaphore, #tpu.memory_space<semaphore_mem>>)
      %dma_wait3A_56 = tpu.memref_slice %arg4[%multiple_of3A_27] : memref<320000xi32, #tpu.memory_space<hbm>> -> memref<80xi32, #tpu.memory_space<hbm>>
      %dma_wait3A_57 = tpu.memref_slice %arg4[%multiple_of3A_27] : memref<320000xi32, #tpu.memory_space<hbm>> -> memref<80xi32, #tpu.memory_space<hbm>>
      tpu.wait_dma2 semaphore(%run_scoped3A : memref<!tpu.dma_semaphore, #tpu.memory_space<semaphore_mem>>) src(%dma_wait3A_57 : memref<80xi32, #tpu.memory_space<hbm>>) dst(%arg11 : memref<80xi32, #tpu.memory_space<vmem>>)
      tpu.yield
    }) : () -> ()
    "tpu.region"() ({
      %run_scoped3A = tpu.sem_alloc : memref<!tpu.dma_semaphore, #tpu.memory_space<semaphore_mem>>
      %dma_start3A_54 = tpu.memref_slice %arg3[%multiple_of3A_27] : memref<320000xi32, #tpu.memory_space<hbm>> -> memref<80xi32, #tpu.memory_space<hbm>>
      %dma_start3A_55 = tpu.memref_slice %arg3[%multiple_of3A_27] : memref<320000xi32, #tpu.memory_space<hbm>> -> memref<80xi32, #tpu.memory_space<hbm>>
      tpu.enqueue_dma source(%dma_start3A_55 : memref<80xi32, #tpu.memory_space<hbm>>) target(%arg8 : memref<80xi32, #tpu.memory_space<vmem>>) target_semaphore(%run_scoped3A : memref<!tpu.dma_semaphore, #tpu.memory_space<semaphore_mem>>)
      %dma_wait3A_56 = tpu.memref_slice %arg3[%multiple_of3A_27] : memref<320000xi32, #tpu.memory_space<hbm>> -> memref<80xi32, #tpu.memory_space<hbm>>
      %dma_wait3A_57 = tpu.memref_slice %arg3[%multiple_of3A_27] : memref<320000xi32, #tpu.memory_space<hbm>> -> memref<80xi32, #tpu.memory_space<hbm>>
      tpu.wait_dma2 semaphore(%run_scoped3A : memref<!tpu.dma_semaphore, #tpu.memory_space<semaphore_mem>>) src(%dma_wait3A_57 : memref<80xi32, #tpu.memory_space<hbm>>) dst(%arg8 : memref<80xi32, #tpu.memory_space<vmem>>)
      tpu.yield
    }) : () -> ()
    %dma_start3A_28 = arith.constant 0 : i32
    %dma_start3A_29 = arith.constant 0 : i32
    %dma_start3A_30 = tpu.memref_slice %arg2[%dma_start3A_28, %dma_start3A_29] : memref<10000x128xf32, #tpu.memory_space<hbm>> -> memref<10000x128xf32, #tpu.memory_space<hbm>>
    tpu.enqueue_indirect_dma source(%dma_start3A_30 : memref<10000x128xf32, #tpu.memory_space<hbm>>) target(%arg14 : memref<80x128xf32, #tpu.memory_space<vmem>>) offsets(%arg8 : memref<80xi32, #tpu.memory_space<vmem>>) semaphore(%arg19 : memref<!tpu.dma_semaphore, #tpu.memory_space<semaphore_mem>>)
    %dma_wait3A = arith.constant 0 : i32
    %dma_wait3A_31 = arith.constant 0 : i32
    %dma_wait3A_32 = tpu.memref_slice %arg2[%dma_wait3A, %dma_wait3A_31] : memref<10000x128xf32, #tpu.memory_space<hbm>> -> memref<10000x128xf32, #tpu.memory_space<hbm>>
    tpu.wait_indirect_dma semaphore(%arg17 : memref<!tpu.dma_semaphore, #tpu.memory_space<semaphore_mem>>) src(%dma_wait3A_32 : memref<10000x128xf32, #tpu.memory_space<hbm>>) dst(%arg12 : memref<80x128xf32, #tpu.memory_space<vmem>>)
    %dma_start3A_33 = arith.constant 0 : i32
    %dma_start3A_34 = arith.constant 0 : i32
    %dma_start3A_35 = tpu.memref_slice %arg16[%dma_start3A_33, %dma_start3A_34] : memref<10240x128xf32, #tpu.memory_space<vmem_shared>> -> memref<10240x128xf32, #tpu.memory_space<vmem_shared>>
    tpu.enqueue_indirect_dma source(%arg12 : memref<80x128xf32, #tpu.memory_space<vmem>>) target(%dma_start3A_35 : memref<10240x128xf32, #tpu.memory_space<vmem_shared>>) offsets(%arg9 : memref<80xi32, #tpu.memory_space<vmem>>) semaphore(%arg20 : memref<!tpu.dma_semaphore, #tpu.memory_space<semaphore_mem>>) {add = true}
    %scan3A_36 = arith.constant 0 : i32
    %scan3A_37 = arith.constant 0 : i32
    %scan3A_38 = arith.constant 42 : i32
    %scan3A_39 = arith.addi %scan3A_37, %scan3A_38 : i32
    %scan3A_40 = arith.constant 1 : i32
    scf.for %scan3A_54 = %scan3A_37 to %scan3A_39 step %scan3A_40  : i32 {
      %mul3A_55 = arith.constant 3 : i32
      %mul3A_56 = arith.muli %scan3A_54, %mul3A_55 : i32
      %add3A_57 = arith.constant 1 : i32
      %add3A_58 = arith.addi %add3A_57, %mul3A_56 : i32
      %add3A_59 = arith.constant 0 : i32
      %add3A_60 = arith.addi %add3A_58, %add3A_59 : i32
      %lt3A = arith.constant 125 : i32
      %lt3A_61 = arith.cmpi slt, %add3A_60, %lt3A : i32
      %convert_element_type3A = arith.extui %lt3A_61 : i1 to i32
      %cond3A = arith.constant 0 : i32
      %cond3A_62 = arith.cmpi ne, %convert_element_type3A, %cond3A : i32
      scf.if %cond3A_62 {
        %add3A_77 = arith.constant 2 : i32
        %add3A_78 = arith.addi %add3A_60, %add3A_77 : i32
        %lt3A_79 = arith.constant 125 : i32
        %lt3A_80 = arith.cmpi slt, %add3A_78, %lt3A_79 : i32
        %convert_element_type3A_81 = arith.extui %lt3A_80 : i1 to i32
        %cond3A_82 = arith.constant 0 : i32
        %cond3A_83 = arith.cmpi ne, %convert_element_type3A_81, %cond3A_82 : i32
        scf.if %cond3A_83 {
          %dma_wait3A_90 = arith.constant 0 : i32
          %dma_wait3A_91 = arith.constant 0 : i32
          %dma_wait3A_92 = tpu.memref_slice %arg16[%dma_wait3A_90, %dma_wait3A_91] : memref<10240x128xf32, #tpu.memory_space<vmem_shared>> -> memref<10240x128xf32, #tpu.memory_space<vmem_shared>>
          tpu.wait_indirect_dma semaphore(%arg20 : memref<!tpu.dma_semaphore, #tpu.memory_space<semaphore_mem>>) src(%arg12 : memref<80x128xf32, #tpu.memory_space<vmem>>) dst(%dma_wait3A_92 : memref<10240x128xf32, #tpu.memory_space<vmem_shared>>)
          %add3A_93 = arith.constant 2 : i32
          %add3A_94 = arith.addi %add3A_60, %add3A_93 : i32
          %mul3A_95 = arith.constant 80 : i32
          %mul3A_96 = arith.muli %add3A_94, %mul3A_95 : i32
          %add3A_97 = arith.addi %mul3A_14, %mul3A_96 : i32
          %multiple_of3A_98 = tpu.assume_multiple %add3A_97, 8 : i32
          "tpu.region"() ({
            %run_scoped3A = tpu.sem_alloc : memref<!tpu.dma_semaphore, #tpu.memory_space<semaphore_mem>>
            %dma_start3A_102 = tpu.memref_slice %arg4[%multiple_of3A_98] : memref<320000xi32, #tpu.memory_space<hbm>> -> memref<80xi32, #tpu.memory_space<hbm>>
            %dma_start3A_103 = tpu.memref_slice %arg4[%multiple_of3A_98] : memref<320000xi32, #tpu.memory_space<hbm>> -> memref<80xi32, #tpu.memory_space<hbm>>
            tpu.enqueue_dma source(%dma_start3A_103 : memref<80xi32, #tpu.memory_space<hbm>>) target(%arg9 : memref<80xi32, #tpu.memory_space<vmem>>) target_semaphore(%run_scoped3A : memref<!tpu.dma_semaphore, #tpu.memory_space<semaphore_mem>>)
            %dma_wait3A_104 = tpu.memref_slice %arg4[%multiple_of3A_98] : memref<320000xi32, #tpu.memory_space<hbm>> -> memref<80xi32, #tpu.memory_space<hbm>>
            %dma_wait3A_105 = tpu.memref_slice %arg4[%multiple_of3A_98] : memref<320000xi32, #tpu.memory_space<hbm>> -> memref<80xi32, #tpu.memory_space<hbm>>
            tpu.wait_dma2 semaphore(%run_scoped3A : memref<!tpu.dma_semaphore, #tpu.memory_space<semaphore_mem>>) src(%dma_wait3A_105 : memref<80xi32, #tpu.memory_space<hbm>>) dst(%arg9 : memref<80xi32, #tpu.memory_space<vmem>>)
            tpu.yield
          }) : () -> ()
          "tpu.region"() ({
            %run_scoped3A = tpu.sem_alloc : memref<!tpu.dma_semaphore, #tpu.memory_space<semaphore_mem>>
            %dma_start3A_102 = tpu.memref_slice %arg3[%multiple_of3A_98] : memref<320000xi32, #tpu.memory_space<hbm>> -> memref<80xi32, #tpu.memory_space<hbm>>
            %dma_start3A_103 = tpu.memref_slice %arg3[%multiple_of3A_98] : memref<320000xi32, #tpu.memory_space<hbm>> -> memref<80xi32, #tpu.memory_space<hbm>>
            tpu.enqueue_dma source(%dma_start3A_103 : memref<80xi32, #tpu.memory_space<hbm>>) target(%arg6 : memref<80xi32, #tpu.memory_space<vmem>>) target_semaphore(%run_scoped3A : memref<!tpu.dma_semaphore, #tpu.memory_space<semaphore_mem>>)
            %dma_wait3A_104 = tpu.memref_slice %arg3[%multiple_of3A_98] : memref<320000xi32, #tpu.memory_space<hbm>> -> memref<80xi32, #tpu.memory_space<hbm>>
            %dma_wait3A_105 = tpu.memref_slice %arg3[%multiple_of3A_98] : memref<320000xi32, #tpu.memory_space<hbm>> -> memref<80xi32, #tpu.memory_space<hbm>>
            tpu.wait_dma2 semaphore(%run_scoped3A : memref<!tpu.dma_semaphore, #tpu.memory_space<semaphore_mem>>) src(%dma_wait3A_105 : memref<80xi32, #tpu.memory_space<hbm>>) dst(%arg6 : memref<80xi32, #tpu.memory_space<vmem>>)
            tpu.yield
          }) : () -> ()
          %dma_start3A_99 = arith.constant 0 : i32
          %dma_start3A_100 = arith.constant 0 : i32
          %dma_start3A_101 = tpu.memref_slice %arg2[%dma_start3A_99, %dma_start3A_100] : memref<10000x128xf32, #tpu.memory_space<hbm>> -> memref<10000x128xf32, #tpu.memory_space<hbm>>
          tpu.enqueue_indirect_dma source(%dma_start3A_101 : memref<10000x128xf32, #tpu.memory_space<hbm>>) target(%arg12 : memref<80x128xf32, #tpu.memory_space<vmem>>) offsets(%arg6 : memref<80xi32, #tpu.memory_space<vmem>>) semaphore(%arg17 : memref<!tpu.dma_semaphore, #tpu.memory_space<semaphore_mem>>)
        } else {
        }
        %dma_wait3A_84 = arith.constant 0 : i32
        %dma_wait3A_85 = arith.constant 0 : i32
        %dma_wait3A_86 = tpu.memref_slice %arg2[%dma_wait3A_84, %dma_wait3A_85] : memref<10000x128xf32, #tpu.memory_space<hbm>> -> memref<10000x128xf32, #tpu.memory_space<hbm>>
        tpu.wait_indirect_dma semaphore(%arg18 : memref<!tpu.dma_semaphore, #tpu.memory_space<semaphore_mem>>) src(%dma_wait3A_86 : memref<10000x128xf32, #tpu.memory_space<hbm>>) dst(%arg13 : memref<80x128xf32, #tpu.memory_space<vmem>>)
        %dma_start3A_87 = arith.constant 0 : i32
        %dma_start3A_88 = arith.constant 0 : i32
        %dma_start3A_89 = tpu.memref_slice %arg16[%dma_start3A_87, %dma_start3A_88] : memref<10240x128xf32, #tpu.memory_space<vmem_shared>> -> memref<10240x128xf32, #tpu.memory_space<vmem_shared>>
        tpu.enqueue_indirect_dma source(%arg13 : memref<80x128xf32, #tpu.memory_space<vmem>>) target(%dma_start3A_89 : memref<10240x128xf32, #tpu.memory_space<vmem_shared>>) offsets(%arg10 : memref<80xi32, #tpu.memory_space<vmem>>) semaphore(%arg21 : memref<!tpu.dma_semaphore, #tpu.memory_space<semaphore_mem>>) {add = true}
      } else {
      }
      %add3A_63 = arith.constant 1 : i32
      %add3A_64 = arith.addi %add3A_58, %add3A_63 : i32
      %lt3A_65 = arith.constant 125 : i32
      %lt3A_66 = arith.cmpi slt, %add3A_64, %lt3A_65 : i32
      %convert_element_type3A_67 = arith.extui %lt3A_66 : i1 to i32
      %cond3A_68 = arith.constant 0 : i32
      %cond3A_69 = arith.cmpi ne, %convert_element_type3A_67, %cond3A_68 : i32
      scf.if %cond3A_69 {
        %add3A_77 = arith.constant 2 : i32
        %add3A_78 = arith.addi %add3A_64, %add3A_77 : i32
        %lt3A_79 = arith.constant 125 : i32
        %lt3A_80 = arith.cmpi slt, %add3A_78, %lt3A_79 : i32
        %convert_element_type3A_81 = arith.extui %lt3A_80 : i1 to i32
        %cond3A_82 = arith.constant 0 : i32
        %cond3A_83 = arith.cmpi ne, %convert_element_type3A_81, %cond3A_82 : i32
        scf.if %cond3A_83 {
          %dma_wait3A_90 = arith.constant 0 : i32
          %dma_wait3A_91 = arith.constant 0 : i32
          %dma_wait3A_92 = tpu.memref_slice %arg16[%dma_wait3A_90, %dma_wait3A_91] : memref<10240x128xf32, #tpu.memory_space<vmem_shared>> -> memref<10240x128xf32, #tpu.memory_space<vmem_shared>>
          tpu.wait_indirect_dma semaphore(%arg21 : memref<!tpu.dma_semaphore, #tpu.memory_space<semaphore_mem>>) src(%arg13 : memref<80x128xf32, #tpu.memory_space<vmem>>) dst(%dma_wait3A_92 : memref<10240x128xf32, #tpu.memory_space<vmem_shared>>)
          %add3A_93 = arith.constant 2 : i32
          %add3A_94 = arith.addi %add3A_64, %add3A_93 : i32
          %mul3A_95 = arith.constant 80 : i32
          %mul3A_96 = arith.muli %add3A_94, %mul3A_95 : i32
          %add3A_97 = arith.addi %mul3A_14, %mul3A_96 : i32
          %multiple_of3A_98 = tpu.assume_multiple %add3A_97, 8 : i32
          "tpu.region"() ({
            %run_scoped3A = tpu.sem_alloc : memref<!tpu.dma_semaphore, #tpu.memory_space<semaphore_mem>>
            %dma_start3A_102 = tpu.memref_slice %arg4[%multiple_of3A_98] : memref<320000xi32, #tpu.memory_space<hbm>> -> memref<80xi32, #tpu.memory_space<hbm>>
            %dma_start3A_103 = tpu.memref_slice %arg4[%multiple_of3A_98] : memref<320000xi32, #tpu.memory_space<hbm>> -> memref<80xi32, #tpu.memory_space<hbm>>
            tpu.enqueue_dma source(%dma_start3A_103 : memref<80xi32, #tpu.memory_space<hbm>>) target(%arg10 : memref<80xi32, #tpu.memory_space<vmem>>) target_semaphore(%run_scoped3A : memref<!tpu.dma_semaphore, #tpu.memory_space<semaphore_mem>>)
            %dma_wait3A_104 = tpu.memref_slice %arg4[%multiple_of3A_98] : memref<320000xi32, #tpu.memory_space<hbm>> -> memref<80xi32, #tpu.memory_space<hbm>>
            %dma_wait3A_105 = tpu.memref_slice %arg4[%multiple_of3A_98] : memref<320000xi32, #tpu.memory_space<hbm>> -> memref<80xi32, #tpu.memory_space<hbm>>
            tpu.wait_dma2 semaphore(%run_scoped3A : memref<!tpu.dma_semaphore, #tpu.memory_space<semaphore_mem>>) src(%dma_wait3A_105 : memref<80xi32, #tpu.memory_space<hbm>>) dst(%arg10 : memref<80xi32, #tpu.memory_space<vmem>>)
            tpu.yield
          }) : () -> ()
          "tpu.region"() ({
            %run_scoped3A = tpu.sem_alloc : memref<!tpu.dma_semaphore, #tpu.memory_space<semaphore_mem>>
            %dma_start3A_102 = tpu.memref_slice %arg3[%multiple_of3A_98] : memref<320000xi32, #tpu.memory_space<hbm>> -> memref<80xi32, #tpu.memory_space<hbm>>
            %dma_start3A_103 = tpu.memref_slice %arg3[%multiple_of3A_98] : memref<320000xi32, #tpu.memory_space<hbm>> -> memref<80xi32, #tpu.memory_space<hbm>>
            tpu.enqueue_dma source(%dma_start3A_103 : memref<80xi32, #tpu.memory_space<hbm>>) target(%arg7 : memref<80xi32, #tpu.memory_space<vmem>>) target_semaphore(%run_scoped3A : memref<!tpu.dma_semaphore, #tpu.memory_space<semaphore_mem>>)
            %dma_wait3A_104 = tpu.memref_slice %arg3[%multiple_of3A_98] : memref<320000xi32, #tpu.memory_space<hbm>> -> memref<80xi32, #tpu.memory_space<hbm>>
            %dma_wait3A_105 = tpu.memref_slice %arg3[%multiple_of3A_98] : memref<320000xi32, #tpu.memory_space<hbm>> -> memref<80xi32, #tpu.memory_space<hbm>>
            tpu.wait_dma2 semaphore(%run_scoped3A : memref<!tpu.dma_semaphore, #tpu.memory_space<semaphore_mem>>) src(%dma_wait3A_105 : memref<80xi32, #tpu.memory_space<hbm>>) dst(%arg7 : memref<80xi32, #tpu.memory_space<vmem>>)
            tpu.yield
          }) : () -> ()
          %dma_start3A_99 = arith.constant 0 : i32
          %dma_start3A_100 = arith.constant 0 : i32
          %dma_start3A_101 = tpu.memref_slice %arg2[%dma_start3A_99, %dma_start3A_100] : memref<10000x128xf32, #tpu.memory_space<hbm>> -> memref<10000x128xf32, #tpu.memory_space<hbm>>
          tpu.enqueue_indirect_dma source(%dma_start3A_101 : memref<10000x128xf32, #tpu.memory_space<hbm>>) target(%arg13 : memref<80x128xf32, #tpu.memory_space<vmem>>) offsets(%arg7 : memref<80xi32, #tpu.memory_space<vmem>>) semaphore(%arg18 : memref<!tpu.dma_semaphore, #tpu.memory_space<semaphore_mem>>)
        } else {
        }
        %dma_wait3A_84 = arith.constant 0 : i32
        %dma_wait3A_85 = arith.constant 0 : i32
        %dma_wait3A_86 = tpu.memref_slice %arg2[%dma_wait3A_84, %dma_wait3A_85] : memref<10000x128xf32, #tpu.memory_space<hbm>> -> memref<10000x128xf32, #tpu.memory_space<hbm>>
        tpu.wait_indirect_dma semaphore(%arg19 : memref<!tpu.dma_semaphore, #tpu.memory_space<semaphore_mem>>) src(%dma_wait3A_86 : memref<10000x128xf32, #tpu.memory_space<hbm>>) dst(%arg14 : memref<80x128xf32, #tpu.memory_space<vmem>>)
        %dma_start3A_87 = arith.constant 0 : i32
        %dma_start3A_88 = arith.constant 0 : i32
        %dma_start3A_89 = tpu.memref_slice %arg16[%dma_start3A_87, %dma_start3A_88] : memref<10240x128xf32, #tpu.memory_space<vmem_shared>> -> memref<10240x128xf32, #tpu.memory_space<vmem_shared>>
        tpu.enqueue_indirect_dma source(%arg14 : memref<80x128xf32, #tpu.memory_space<vmem>>) target(%dma_start3A_89 : memref<10240x128xf32, #tpu.memory_space<vmem_shared>>) offsets(%arg11 : memref<80xi32, #tpu.memory_space<vmem>>) semaphore(%arg22 : memref<!tpu.dma_semaphore, #tpu.memory_space<semaphore_mem>>) {add = true}
      } else {
      }
      %add3A_70 = arith.constant 2 : i32
      %add3A_71 = arith.addi %add3A_58, %add3A_70 : i32
      %lt3A_72 = arith.constant 125 : i32
      %lt3A_73 = arith.cmpi slt, %add3A_71, %lt3A_72 : i32
      %convert_element_type3A_74 = arith.extui %lt3A_73 : i1 to i32
      %cond3A_75 = arith.constant 0 : i32
      %cond3A_76 = arith.cmpi ne, %convert_element_type3A_74, %cond3A_75 : i32
      scf.if %cond3A_76 {
        %add3A_77 = arith.constant 2 : i32
        %add3A_78 = arith.addi %add3A_71, %add3A_77 : i32
        %lt3A_79 = arith.constant 125 : i32
        %lt3A_80 = arith.cmpi slt, %add3A_78, %lt3A_79 : i32
        %convert_element_type3A_81 = arith.extui %lt3A_80 : i1 to i32
        %cond3A_82 = arith.constant 0 : i32
        %cond3A_83 = arith.cmpi ne, %convert_element_type3A_81, %cond3A_82 : i32
        scf.if %cond3A_83 {
          %dma_wait3A_90 = arith.constant 0 : i32
          %dma_wait3A_91 = arith.constant 0 : i32
          %dma_wait3A_92 = tpu.memref_slice %arg16[%dma_wait3A_90, %dma_wait3A_91] : memref<10240x128xf32, #tpu.memory_space<vmem_shared>> -> memref<10240x128xf32, #tpu.memory_space<vmem_shared>>
          tpu.wait_indirect_dma semaphore(%arg22 : memref<!tpu.dma_semaphore, #tpu.memory_space<semaphore_mem>>) src(%arg14 : memref<80x128xf32, #tpu.memory_space<vmem>>) dst(%dma_wait3A_92 : memref<10240x128xf32, #tpu.memory_space<vmem_shared>>)
          %add3A_93 = arith.constant 2 : i32
          %add3A_94 = arith.addi %add3A_71, %add3A_93 : i32
          %mul3A_95 = arith.constant 80 : i32
          %mul3A_96 = arith.muli %add3A_94, %mul3A_95 : i32
          %add3A_97 = arith.addi %mul3A_14, %mul3A_96 : i32
          %multiple_of3A_98 = tpu.assume_multiple %add3A_97, 8 : i32
          "tpu.region"() ({
            %run_scoped3A = tpu.sem_alloc : memref<!tpu.dma_semaphore, #tpu.memory_space<semaphore_mem>>
            %dma_start3A_102 = tpu.memref_slice %arg4[%multiple_of3A_98] : memref<320000xi32, #tpu.memory_space<hbm>> -> memref<80xi32, #tpu.memory_space<hbm>>
            %dma_start3A_103 = tpu.memref_slice %arg4[%multiple_of3A_98] : memref<320000xi32, #tpu.memory_space<hbm>> -> memref<80xi32, #tpu.memory_space<hbm>>
            tpu.enqueue_dma source(%dma_start3A_103 : memref<80xi32, #tpu.memory_space<hbm>>) target(%arg11 : memref<80xi32, #tpu.memory_space<vmem>>) target_semaphore(%run_scoped3A : memref<!tpu.dma_semaphore, #tpu.memory_space<semaphore_mem>>)
            %dma_wait3A_104 = tpu.memref_slice %arg4[%multiple_of3A_98] : memref<320000xi32, #tpu.memory_space<hbm>> -> memref<80xi32, #tpu.memory_space<hbm>>
            %dma_wait3A_105 = tpu.memref_slice %arg4[%multiple_of3A_98] : memref<320000xi32, #tpu.memory_space<hbm>> -> memref<80xi32, #tpu.memory_space<hbm>>
            tpu.wait_dma2 semaphore(%run_scoped3A : memref<!tpu.dma_semaphore, #tpu.memory_space<semaphore_mem>>) src(%dma_wait3A_105 : memref<80xi32, #tpu.memory_space<hbm>>) dst(%arg11 : memref<80xi32, #tpu.memory_space<vmem>>)
            tpu.yield
          }) : () -> ()
          "tpu.region"() ({
            %run_scoped3A = tpu.sem_alloc : memref<!tpu.dma_semaphore, #tpu.memory_space<semaphore_mem>>
            %dma_start3A_102 = tpu.memref_slice %arg3[%multiple_of3A_98] : memref<320000xi32, #tpu.memory_space<hbm>> -> memref<80xi32, #tpu.memory_space<hbm>>
            %dma_start3A_103 = tpu.memref_slice %arg3[%multiple_of3A_98] : memref<320000xi32, #tpu.memory_space<hbm>> -> memref<80xi32, #tpu.memory_space<hbm>>
            tpu.enqueue_dma source(%dma_start3A_103 : memref<80xi32, #tpu.memory_space<hbm>>) target(%arg8 : memref<80xi32, #tpu.memory_space<vmem>>) target_semaphore(%run_scoped3A : memref<!tpu.dma_semaphore, #tpu.memory_space<semaphore_mem>>)
            %dma_wait3A_104 = tpu.memref_slice %arg3[%multiple_of3A_98] : memref<320000xi32, #tpu.memory_space<hbm>> -> memref<80xi32, #tpu.memory_space<hbm>>
            %dma_wait3A_105 = tpu.memref_slice %arg3[%multiple_of3A_98] : memref<320000xi32, #tpu.memory_space<hbm>> -> memref<80xi32, #tpu.memory_space<hbm>>
            tpu.wait_dma2 semaphore(%run_scoped3A : memref<!tpu.dma_semaphore, #tpu.memory_space<semaphore_mem>>) src(%dma_wait3A_105 : memref<80xi32, #tpu.memory_space<hbm>>) dst(%arg8 : memref<80xi32, #tpu.memory_space<vmem>>)
            tpu.yield
          }) : () -> ()
          %dma_start3A_99 = arith.constant 0 : i32
          %dma_start3A_100 = arith.constant 0 : i32
          %dma_start3A_101 = tpu.memref_slice %arg2[%dma_start3A_99, %dma_start3A_100] : memref<10000x128xf32, #tpu.memory_space<hbm>> -> memref<10000x128xf32, #tpu.memory_space<hbm>>
          tpu.enqueue_indirect_dma source(%dma_start3A_101 : memref<10000x128xf32, #tpu.memory_space<hbm>>) target(%arg14 : memref<80x128xf32, #tpu.memory_space<vmem>>) offsets(%arg8 : memref<80xi32, #tpu.memory_space<vmem>>) semaphore(%arg19 : memref<!tpu.dma_semaphore, #tpu.memory_space<semaphore_mem>>)
        } else {
        }
        %dma_wait3A_84 = arith.constant 0 : i32
        %dma_wait3A_85 = arith.constant 0 : i32
        %dma_wait3A_86 = tpu.memref_slice %arg2[%dma_wait3A_84, %dma_wait3A_85] : memref<10000x128xf32, #tpu.memory_space<hbm>> -> memref<10000x128xf32, #tpu.memory_space<hbm>>
        tpu.wait_indirect_dma semaphore(%arg17 : memref<!tpu.dma_semaphore, #tpu.memory_space<semaphore_mem>>) src(%dma_wait3A_86 : memref<10000x128xf32, #tpu.memory_space<hbm>>) dst(%arg12 : memref<80x128xf32, #tpu.memory_space<vmem>>)
        %dma_start3A_87 = arith.constant 0 : i32
        %dma_start3A_88 = arith.constant 0 : i32
        %dma_start3A_89 = tpu.memref_slice %arg16[%dma_start3A_87, %dma_start3A_88] : memref<10240x128xf32, #tpu.memory_space<vmem_shared>> -> memref<10240x128xf32, #tpu.memory_space<vmem_shared>>
        tpu.enqueue_indirect_dma source(%arg12 : memref<80x128xf32, #tpu.memory_space<vmem>>) target(%dma_start3A_89 : memref<10240x128xf32, #tpu.memory_space<vmem_shared>>) offsets(%arg9 : memref<80xi32, #tpu.memory_space<vmem>>) semaphore(%arg20 : memref<!tpu.dma_semaphore, #tpu.memory_space<semaphore_mem>>) {add = true}
      } else {
      }
    }
    %scan3A_41 = arith.constant 42 : i32
    %dma_wait3A_42 = arith.constant 0 : i32
    %dma_wait3A_43 = arith.constant 0 : i32
    %dma_wait3A_44 = tpu.memref_slice %arg16[%dma_wait3A_42, %dma_wait3A_43] : memref<10240x128xf32, #tpu.memory_space<vmem_shared>> -> memref<10240x128xf32, #tpu.memory_space<vmem_shared>>
    tpu.wait_indirect_dma semaphore(%arg20 : memref<!tpu.dma_semaphore, #tpu.memory_space<semaphore_mem>>) src(%arg12 : memref<80x128xf32, #tpu.memory_space<vmem>>) dst(%dma_wait3A_44 : memref<10240x128xf32, #tpu.memory_space<vmem_shared>>)
    %dma_wait3A_45 = arith.constant 0 : i32
    %dma_wait3A_46 = arith.constant 0 : i32
    %dma_wait3A_47 = tpu.memref_slice %arg16[%dma_wait3A_45, %dma_wait3A_46] : memref<10240x128xf32, #tpu.memory_space<vmem_shared>> -> memref<10240x128xf32, #tpu.memory_space<vmem_shared>>
    tpu.wait_indirect_dma semaphore(%arg21 : memref<!tpu.dma_semaphore, #tpu.memory_space<semaphore_mem>>) src(%arg13 : memref<80x128xf32, #tpu.memory_space<vmem>>) dst(%dma_wait3A_47 : memref<10240x128xf32, #tpu.memory_space<vmem_shared>>)
    %dma_wait3A_48 = arith.constant 0 : i32
    %dma_wait3A_49 = arith.constant 0 : i32
    %dma_wait3A_50 = tpu.memref_slice %arg16[%dma_wait3A_48, %dma_wait3A_49] : memref<10240x128xf32, #tpu.memory_space<vmem_shared>> -> memref<10240x128xf32, #tpu.memory_space<vmem_shared>>
    tpu.wait_indirect_dma semaphore(%arg22 : memref<!tpu.dma_semaphore, #tpu.memory_space<semaphore_mem>>) src(%arg14 : memref<80x128xf32, #tpu.memory_space<vmem>>) dst(%dma_wait3A_50 : memref<10240x128xf32, #tpu.memory_space<vmem_shared>>)
    %barrier3A_51 = arith.constant 0 : index
    tpu.barrier barrier_id(%barrier3A_51)
    %mul3A_52 = arith.constant 640 : i32
    %mul3A_53 = arith.muli %arg1, %mul3A_52 : i32
    "tpu.region"() ({
      %run_scoped3A = tpu.sem_alloc : memref<!tpu.dma_semaphore, #tpu.memory_space<semaphore_mem>>
      %dma_start3A_54 = arith.constant 0 : i32
      %dma_start3A_55 = tpu.memref_slice %arg5[%arg0, %mul3A_53, %dma_start3A_54] : memref<2x10240x128xf32, #tpu.memory_space<hbm>> -> memref<1x640x128xf32, #tpu.memory_space<hbm>>
      %dma_start3A_56 = tpu.memref_squeeze %dma_start3A_55 : memref<1x640x128xf32, #tpu.memory_space<hbm>> -> memref<640x128xf32, #tpu.memory_space<hbm>>
      %dma_start3A_57 = arith.constant 0 : i32
      %dma_start3A_58 = tpu.memref_slice %arg16[%mul3A_53, %dma_start3A_57] : memref<10240x128xf32, #tpu.memory_space<vmem_shared>> -> memref<640x128xf32, #tpu.memory_space<vmem_shared>>
      tpu.enqueue_dma source(%dma_start3A_58 : memref<640x128xf32, #tpu.memory_space<vmem_shared>>) target(%dma_start3A_56 : memref<640x128xf32, #tpu.memory_space<hbm>>) target_semaphore(%run_scoped3A : memref<!tpu.dma_semaphore, #tpu.memory_space<semaphore_mem>>)
      %dma_wait3A_59 = arith.constant 0 : i32
      %dma_wait3A_60 = tpu.memref_slice %arg5[%arg0, %mul3A_53, %dma_wait3A_59] : memref<2x10240x128xf32, #tpu.memory_space<hbm>> -> memref<1x640x128xf32, #tpu.memory_space<hbm>>
      %dma_wait3A_61 = tpu.memref_squeeze %dma_wait3A_60 : memref<1x640x128xf32, #tpu.memory_space<hbm>> -> memref<640x128xf32, #tpu.memory_space<hbm>>
      %dma_wait3A_62 = arith.constant 0 : i32
      %dma_wait3A_63 = tpu.memref_slice %arg16[%mul3A_53, %dma_wait3A_62] : memref<10240x128xf32, #tpu.memory_space<vmem_shared>> -> memref<640x128xf32, #tpu.memory_space<vmem_shared>>
      tpu.wait_dma2 semaphore(%run_scoped3A : memref<!tpu.dma_semaphore, #tpu.memory_space<semaphore_mem>>) src(%dma_wait3A_63 : memref<640x128xf32, #tpu.memory_space<vmem_shared>>) dst(%dma_wait3A_61 : memref<640x128xf32, #tpu.memory_space<hbm>>)
      tpu.yield
    }) : () -> ()
    return
  }
}

#map = affine_map<(d0, d1) -> (0)>
#map1 = affine_map<(d0, d1) -> (0, 0)>
module attributes {stable_mosaic.version = 14 : i64} {
  func.func @body(%arg0: i32, %arg1: i32, %arg2: memref<320000xi32, #tpu.memory_space<hbm>>, %arg3: memref<2x10240xf32, #tpu.memory_space<hbm>>, %arg4: memref<80xi32, #tpu.memory_space<vmem>>, %arg5: memref<80xi32, #tpu.memory_space<vmem>>, %arg6: memref<80xi32, #tpu.memory_space<vmem>>, %arg7: memref<80xf32, #tpu.memory_space<vmem>>, %arg8: memref<640xf32, #tpu.memory_space<vmem>>, %arg9: memref<10240xf32, #tpu.memory_space<vmem_shared>>, %arg10: memref<!tpu.dma_semaphore, #tpu.memory_space<semaphore_mem>>, %arg11: memref<!tpu.dma_semaphore, #tpu.memory_space<semaphore_mem>>, %arg12: memref<!tpu.dma_semaphore, #tpu.memory_space<semaphore_mem>>) attributes {dimension_semantics = [#tpu.dimension_semantics<core_parallel>, #tpu.dimension_semantics<subcore_parallel>], iteration_bounds = array<i64: 2, 16>, scalar_prefetch = 0 : i64, scratch_operands = 9 : i64, tpu.core_type = #tpu.core_type<sc_vector_subcore>, window_params = [{transform_indices = #map}, {transform_indices = #map1}]} {
    %mul3A = arith.constant 2 : i32
    %mul3A_0 = arith.muli %arg1, %mul3A : i32
    %add3A = arith.addi %mul3A_0, %arg0 : i32
    %broadcast_in_dim3A = arith.constant 0.000000e+00 : f32
    %broadcast_in_dim3A_1 = vector.broadcast %broadcast_in_dim3A : f32 to vector<16xf32>
    %broadcast_in_dim3A_2 = arith.constant 1.000000e+00 : f32
    %broadcast_in_dim3A_3 = vector.broadcast %broadcast_in_dim3A_2 : f32 to vector<16xf32>
    %scan3A = arith.constant 0 : i32
    %scan3A_4 = arith.constant 0 : i32
    %scan3A_5 = arith.constant 40 : i32
    %scan3A_6 = arith.addi %scan3A_4, %scan3A_5 : i32
    %scan3A_7 = arith.constant 1 : i32
    scf.for %scan3A_38 = %scan3A_4 to %scan3A_6 step %scan3A_7  : i32 {
      %mul3A_39 = arith.constant 16 : i32
      %mul3A_40 = arith.muli %scan3A_38, %mul3A_39 : i32
      %swap3A = arith.index_cast %mul3A_40 : i32 to index
      %swap3A_41 = tpu.vector_load %arg8[%swap3A] {strides = array<i32>} : memref<640xf32, #tpu.memory_space<vmem>>, vector<16xf32>,
      %swap3A_42 = vector.shape_cast %swap3A_41 : vector<16xf32> to vector<16xf32>
      %swap3A_43 = vector.shape_cast %broadcast_in_dim3A_1 : vector<16xf32> to vector<16xf32>
      tpu.vector_store %arg8[%swap3A], %swap3A_43 {strides = array<i32>} : memref<640xf32, #tpu.memory_space<vmem>>, vector<16xf32>,
    }
    %scan3A_8 = arith.constant 40 : i32
    %scan3A_9 = arith.constant 0 : i32
    %scan3A_10 = arith.constant 0 : i32
    %scan3A_11 = arith.constant 5 : i32
    %scan3A_12 = arith.addi %scan3A_10, %scan3A_11 : i32
    %scan3A_13 = arith.constant 1 : i32
    scf.for %scan3A_38 = %scan3A_10 to %scan3A_12 step %scan3A_13  : i32 {
      %mul3A_39 = arith.constant 16 : i32
      %mul3A_40 = arith.muli %scan3A_38, %mul3A_39 : i32
      %swap3A = arith.index_cast %mul3A_40 : i32 to index
      %swap3A_41 = tpu.vector_load %arg7[%swap3A] {strides = array<i32>} : memref<80xf32, #tpu.memory_space<vmem>>, vector<16xf32>,
      %swap3A_42 = vector.shape_cast %swap3A_41 : vector<16xf32> to vector<16xf32>
      %swap3A_43 = vector.shape_cast %broadcast_in_dim3A_3 : vector<16xf32> to vector<16xf32>
      tpu.vector_store %arg7[%swap3A], %swap3A_43 {strides = array<i32>} : memref<80xf32, #tpu.memory_space<vmem>>, vector<16xf32>,
    }
    %scan3A_14 = arith.constant 5 : i32
    %mul3A_15 = arith.constant 640 : i32
    %mul3A_16 = arith.muli %arg1, %mul3A_15 : i32
    "tpu.region"() ({
      %run_scoped3A = tpu.sem_alloc : memref<!tpu.dma_semaphore, #tpu.memory_space<semaphore_mem>>
      %dma_start3A_38 = tpu.memref_slice %arg9[%mul3A_16] : memref<10240xf32, #tpu.memory_space<vmem_shared>> -> memref<640xf32, #tpu.memory_space<vmem_shared>>
      %dma_start3A_39 = tpu.memref_slice %arg9[%mul3A_16] : memref<10240xf32, #tpu.memory_space<vmem_shared>> -> memref<640xf32, #tpu.memory_space<vmem_shared>>
      tpu.enqueue_dma source(%arg8 : memref<640xf32, #tpu.memory_space<vmem>>) target(%dma_start3A_39 : memref<640xf32, #tpu.memory_space<vmem_shared>>) target_semaphore(%run_scoped3A : memref<!tpu.dma_semaphore, #tpu.memory_space<semaphore_mem>>)
      %dma_wait3A = tpu.memref_slice %arg9[%mul3A_16] : memref<10240xf32, #tpu.memory_space<vmem_shared>> -> memref<640xf32, #tpu.memory_space<vmem_shared>>
      %dma_wait3A_40 = tpu.memref_slice %arg9[%mul3A_16] : memref<10240xf32, #tpu.memory_space<vmem_shared>> -> memref<640xf32, #tpu.memory_space<vmem_shared>>
      tpu.wait_dma2 semaphore(%run_scoped3A : memref<!tpu.dma_semaphore, #tpu.memory_space<semaphore_mem>>) src(%arg8 : memref<640xf32, #tpu.memory_space<vmem>>) dst(%dma_wait3A_40 : memref<640xf32, #tpu.memory_space<vmem_shared>>)
      tpu.yield
    }) : () -> ()
    %barrier3A = arith.constant 0 : index
    tpu.barrier barrier_id(%barrier3A)
    %mul3A_17 = arith.constant 10000 : i32
    %mul3A_18 = arith.muli %add3A, %mul3A_17 : i32
    %add3A_19 = arith.constant 0 : i32
    %add3A_20 = arith.addi %mul3A_18, %add3A_19 : i32
    %multiple_of3A = tpu.assume_multiple %add3A_20, 8 : i32
    %dma_start3A = tpu.memref_slice %arg2[%multiple_of3A] : memref<320000xi32, #tpu.memory_space<hbm>> -> memref<80xi32, #tpu.memory_space<hbm>>
    %dma_start3A_21 = tpu.memref_slice %arg2[%multiple_of3A] : memref<320000xi32, #tpu.memory_space<hbm>> -> memref<80xi32, #tpu.memory_space<hbm>>
    tpu.enqueue_dma source(%dma_start3A_21 : memref<80xi32, #tpu.memory_space<hbm>>) target(%arg4 : memref<80xi32, #tpu.memory_space<vmem>>) target_semaphore(%arg10 : memref<!tpu.dma_semaphore, #tpu.memory_space<semaphore_mem>>)
    %add3A_22 = arith.constant 80 : i32
    %add3A_23 = arith.addi %mul3A_18, %add3A_22 : i32
    %multiple_of3A_24 = tpu.assume_multiple %add3A_23, 8 : i32
    %dma_start3A_25 = tpu.memref_slice %arg2[%multiple_of3A_24] : memref<320000xi32, #tpu.memory_space<hbm>> -> memref<80xi32, #tpu.memory_space<hbm>>
    %dma_start3A_26 = tpu.memref_slice %arg2[%multiple_of3A_24] : memref<320000xi32, #tpu.memory_space<hbm>> -> memref<80xi32, #tpu.memory_space<hbm>>
    tpu.enqueue_dma source(%dma_start3A_26 : memref<80xi32, #tpu.memory_space<hbm>>) target(%arg5 : memref<80xi32, #tpu.memory_space<vmem>>) target_semaphore(%arg11 : memref<!tpu.dma_semaphore, #tpu.memory_space<semaphore_mem>>)
    %scan3A_27 = arith.constant 0 : i32
    %scan3A_28 = arith.constant 0 : i32
    %scan3A_29 = arith.constant 42 : i32
    %scan3A_30 = arith.addi %scan3A_28, %scan3A_29 : i32
    %scan3A_31 = arith.constant 1 : i32
    scf.for %scan3A_38 = %scan3A_28 to %scan3A_30 step %scan3A_31  : i32 {
      %mul3A_39 = arith.constant 3 : i32
      %mul3A_40 = arith.muli %scan3A_38, %mul3A_39 : i32
      %add3A_41 = arith.constant 0 : i32
      %add3A_42 = arith.addi %mul3A_40, %add3A_41 : i32
      %lt3A = arith.constant 125 : i32
      %lt3A_43 = arith.cmpi slt, %add3A_42, %lt3A : i32
      %convert_element_type3A = arith.extui %lt3A_43 : i1 to i32
      %cond3A = arith.constant 0 : i32
      %cond3A_44 = arith.cmpi ne, %convert_element_type3A, %cond3A : i32
      scf.if %cond3A_44 {
        %add3A_59 = arith.constant 2 : i32
        %add3A_60 = arith.addi %add3A_42, %add3A_59 : i32
        %lt3A_61 = arith.constant 125 : i32
        %lt3A_62 = arith.cmpi slt, %add3A_60, %lt3A_61 : i32
        %convert_element_type3A_63 = arith.extui %lt3A_62 : i1 to i32
        %cond3A_64 = arith.constant 0 : i32
        %cond3A_65 = arith.cmpi ne, %convert_element_type3A_63, %cond3A_64 : i32
        scf.if %cond3A_65 {
          %add3A_71 = arith.constant 2 : i32
          %add3A_72 = arith.addi %add3A_42, %add3A_71 : i32
          %mul3A_73 = arith.constant 80 : i32
          %mul3A_74 = arith.muli %add3A_72, %mul3A_73 : i32
          %add3A_75 = arith.addi %mul3A_18, %mul3A_74 : i32
          %multiple_of3A_76 = tpu.assume_multiple %add3A_75, 8 : i32
          %dma_start3A_77 = tpu.memref_slice %arg2[%multiple_of3A_76] : memref<320000xi32, #tpu.memory_space<hbm>> -> memref<80xi32, #tpu.memory_space<hbm>>
          %dma_start3A_78 = tpu.memref_slice %arg2[%multiple_of3A_76] : memref<320000xi32, #tpu.memory_space<hbm>> -> memref<80xi32, #tpu.memory_space<hbm>>
          tpu.enqueue_dma source(%dma_start3A_78 : memref<80xi32, #tpu.memory_space<hbm>>) target(%arg6 : memref<80xi32, #tpu.memory_space<vmem>>) target_semaphore(%arg12 : memref<!tpu.dma_semaphore, #tpu.memory_space<semaphore_mem>>)
        } else {
        }
        %mul3A_66 = arith.constant 80 : i32
        %mul3A_67 = arith.muli %add3A_42, %mul3A_66 : i32
        %add3A_68 = arith.addi %mul3A_18, %mul3A_67 : i32
        %multiple_of3A_69 = tpu.assume_multiple %add3A_68, 8 : i32
        %dma_wait3A = tpu.memref_slice %arg2[%multiple_of3A_69] : memref<320000xi32, #tpu.memory_space<hbm>> -> memref<80xi32, #tpu.memory_space<hbm>>
        %dma_wait3A_70 = tpu.memref_slice %arg2[%multiple_of3A_69] : memref<320000xi32, #tpu.memory_space<hbm>> -> memref<80xi32, #tpu.memory_space<hbm>>
        tpu.wait_dma2 semaphore(%arg10 : memref<!tpu.dma_semaphore, #tpu.memory_space<semaphore_mem>>) src(%dma_wait3A_70 : memref<80xi32, #tpu.memory_space<hbm>>) dst(%arg4 : memref<80xi32, #tpu.memory_space<vmem>>)
        "tpu.region"() ({
          %run_scoped3A = tpu.sem_alloc : memref<!tpu.dma_semaphore, #tpu.memory_space<semaphore_mem>>
          %dma_start3A_71 = arith.constant 0 : i32
          %dma_start3A_72 = tpu.memref_slice %arg9[%dma_start3A_71] : memref<10240xf32, #tpu.memory_space<vmem_shared>> -> memref<10240xf32, #tpu.memory_space<vmem_shared>>
          tpu.enqueue_indirect_dma source(%arg7 : memref<80xf32, #tpu.memory_space<vmem>>) target(%dma_start3A_72 : memref<10240xf32, #tpu.memory_space<vmem_shared>>) offsets(%arg4 : memref<80xi32, #tpu.memory_space<vmem>>) semaphore(%run_scoped3A : memref<!tpu.dma_semaphore, #tpu.memory_space<semaphore_mem>>) {add = true}
          %dma_wait3A_73 = arith.constant 0 : i32
          %dma_wait3A_74 = tpu.memref_slice %arg9[%dma_wait3A_73] : memref<10240xf32, #tpu.memory_space<vmem_shared>> -> memref<10240xf32, #tpu.memory_space<vmem_shared>>
          tpu.wait_indirect_dma semaphore(%run_scoped3A : memref<!tpu.dma_semaphore, #tpu.memory_space<semaphore_mem>>) src(%arg7 : memref<80xf32, #tpu.memory_space<vmem>>) dst(%dma_wait3A_74 : memref<10240xf32, #tpu.memory_space<vmem_shared>>)
          tpu.yield
        }) : () -> ()
      } else {
      }
      %add3A_45 = arith.constant 1 : i32
      %add3A_46 = arith.addi %mul3A_40, %add3A_45 : i32
      %lt3A_47 = arith.constant 125 : i32
      %lt3A_48 = arith.cmpi slt, %add3A_46, %lt3A_47 : i32
      %convert_element_type3A_49 = arith.extui %lt3A_48 : i1 to i32
      %cond3A_50 = arith.constant 0 : i32
      %cond3A_51 = arith.cmpi ne, %convert_element_type3A_49, %cond3A_50 : i32
      scf.if %cond3A_51 {
        %add3A_59 = arith.constant 2 : i32
        %add3A_60 = arith.addi %add3A_46, %add3A_59 : i32
        %lt3A_61 = arith.constant 125 : i32
        %lt3A_62 = arith.cmpi slt, %add3A_60, %lt3A_61 : i32
        %convert_element_type3A_63 = arith.extui %lt3A_62 : i1 to i32
        %cond3A_64 = arith.constant 0 : i32
        %cond3A_65 = arith.cmpi ne, %convert_element_type3A_63, %cond3A_64 : i32
        scf.if %cond3A_65 {
          %add3A_71 = arith.constant 2 : i32
          %add3A_72 = arith.addi %add3A_46, %add3A_71 : i32
          %mul3A_73 = arith.constant 80 : i32
          %mul3A_74 = arith.muli %add3A_72, %mul3A_73 : i32
          %add3A_75 = arith.addi %mul3A_18, %mul3A_74 : i32
          %multiple_of3A_76 = tpu.assume_multiple %add3A_75, 8 : i32
          %dma_start3A_77 = tpu.memref_slice %arg2[%multiple_of3A_76] : memref<320000xi32, #tpu.memory_space<hbm>> -> memref<80xi32, #tpu.memory_space<hbm>>
          %dma_start3A_78 = tpu.memref_slice %arg2[%multiple_of3A_76] : memref<320000xi32, #tpu.memory_space<hbm>> -> memref<80xi32, #tpu.memory_space<hbm>>
          tpu.enqueue_dma source(%dma_start3A_78 : memref<80xi32, #tpu.memory_space<hbm>>) target(%arg4 : memref<80xi32, #tpu.memory_space<vmem>>) target_semaphore(%arg10 : memref<!tpu.dma_semaphore, #tpu.memory_space<semaphore_mem>>)
        } else {
        }
        %mul3A_66 = arith.constant 80 : i32
        %mul3A_67 = arith.muli %add3A_46, %mul3A_66 : i32
        %add3A_68 = arith.addi %mul3A_18, %mul3A_67 : i32
        %multiple_of3A_69 = tpu.assume_multiple %add3A_68, 8 : i32
        %dma_wait3A = tpu.memref_slice %arg2[%multiple_of3A_69] : memref<320000xi32, #tpu.memory_space<hbm>> -> memref<80xi32, #tpu.memory_space<hbm>>
        %dma_wait3A_70 = tpu.memref_slice %arg2[%multiple_of3A_69] : memref<320000xi32, #tpu.memory_space<hbm>> -> memref<80xi32, #tpu.memory_space<hbm>>
        tpu.wait_dma2 semaphore(%arg11 : memref<!tpu.dma_semaphore, #tpu.memory_space<semaphore_mem>>) src(%dma_wait3A_70 : memref<80xi32, #tpu.memory_space<hbm>>) dst(%arg5 : memref<80xi32, #tpu.memory_space<vmem>>)
        "tpu.region"() ({
          %run_scoped3A = tpu.sem_alloc : memref<!tpu.dma_semaphore, #tpu.memory_space<semaphore_mem>>
          %dma_start3A_71 = arith.constant 0 : i32
          %dma_start3A_72 = tpu.memref_slice %arg9[%dma_start3A_71] : memref<10240xf32, #tpu.memory_space<vmem_shared>> -> memref<10240xf32, #tpu.memory_space<vmem_shared>>
          tpu.enqueue_indirect_dma source(%arg7 : memref<80xf32, #tpu.memory_space<vmem>>) target(%dma_start3A_72 : memref<10240xf32, #tpu.memory_space<vmem_shared>>) offsets(%arg5 : memref<80xi32, #tpu.memory_space<vmem>>) semaphore(%run_scoped3A : memref<!tpu.dma_semaphore, #tpu.memory_space<semaphore_mem>>) {add = true}
          %dma_wait3A_73 = arith.constant 0 : i32
          %dma_wait3A_74 = tpu.memref_slice %arg9[%dma_wait3A_73] : memref<10240xf32, #tpu.memory_space<vmem_shared>> -> memref<10240xf32, #tpu.memory_space<vmem_shared>>
          tpu.wait_indirect_dma semaphore(%run_scoped3A : memref<!tpu.dma_semaphore, #tpu.memory_space<semaphore_mem>>) src(%arg7 : memref<80xf32, #tpu.memory_space<vmem>>) dst(%dma_wait3A_74 : memref<10240xf32, #tpu.memory_space<vmem_shared>>)
          tpu.yield
        }) : () -> ()
      } else {
      }
      %add3A_52 = arith.constant 2 : i32
      %add3A_53 = arith.addi %mul3A_40, %add3A_52 : i32
      %lt3A_54 = arith.constant 125 : i32
      %lt3A_55 = arith.cmpi slt, %add3A_53, %lt3A_54 : i32
      %convert_element_type3A_56 = arith.extui %lt3A_55 : i1 to i32
      %cond3A_57 = arith.constant 0 : i32
      %cond3A_58 = arith.cmpi ne, %convert_element_type3A_56, %cond3A_57 : i32
      scf.if %cond3A_58 {
        %add3A_59 = arith.constant 2 : i32
        %add3A_60 = arith.addi %add3A_53, %add3A_59 : i32
        %lt3A_61 = arith.constant 125 : i32
        %lt3A_62 = arith.cmpi slt, %add3A_60, %lt3A_61 : i32
        %convert_element_type3A_63 = arith.extui %lt3A_62 : i1 to i32
        %cond3A_64 = arith.constant 0 : i32
        %cond3A_65 = arith.cmpi ne, %convert_element_type3A_63, %cond3A_64 : i32
        scf.if %cond3A_65 {
          %add3A_71 = arith.constant 2 : i32
          %add3A_72 = arith.addi %add3A_53, %add3A_71 : i32
          %mul3A_73 = arith.constant 80 : i32
          %mul3A_74 = arith.muli %add3A_72, %mul3A_73 : i32
          %add3A_75 = arith.addi %mul3A_18, %mul3A_74 : i32
          %multiple_of3A_76 = tpu.assume_multiple %add3A_75, 8 : i32
          %dma_start3A_77 = tpu.memref_slice %arg2[%multiple_of3A_76] : memref<320000xi32, #tpu.memory_space<hbm>> -> memref<80xi32, #tpu.memory_space<hbm>>
          %dma_start3A_78 = tpu.memref_slice %arg2[%multiple_of3A_76] : memref<320000xi32, #tpu.memory_space<hbm>> -> memref<80xi32, #tpu.memory_space<hbm>>
          tpu.enqueue_dma source(%dma_start3A_78 : memref<80xi32, #tpu.memory_space<hbm>>) target(%arg5 : memref<80xi32, #tpu.memory_space<vmem>>) target_semaphore(%arg11 : memref<!tpu.dma_semaphore, #tpu.memory_space<semaphore_mem>>)
        } else {
        }
        %mul3A_66 = arith.constant 80 : i32
        %mul3A_67 = arith.muli %add3A_53, %mul3A_66 : i32
        %add3A_68 = arith.addi %mul3A_18, %mul3A_67 : i32
        %multiple_of3A_69 = tpu.assume_multiple %add3A_68, 8 : i32
        %dma_wait3A = tpu.memref_slice %arg2[%multiple_of3A_69] : memref<320000xi32, #tpu.memory_space<hbm>> -> memref<80xi32, #tpu.memory_space<hbm>>
        %dma_wait3A_70 = tpu.memref_slice %arg2[%multiple_of3A_69] : memref<320000xi32, #tpu.memory_space<hbm>> -> memref<80xi32, #tpu.memory_space<hbm>>
        tpu.wait_dma2 semaphore(%arg12 : memref<!tpu.dma_semaphore, #tpu.memory_space<semaphore_mem>>) src(%dma_wait3A_70 : memref<80xi32, #tpu.memory_space<hbm>>) dst(%arg6 : memref<80xi32, #tpu.memory_space<vmem>>)
        "tpu.region"() ({
          %run_scoped3A = tpu.sem_alloc : memref<!tpu.dma_semaphore, #tpu.memory_space<semaphore_mem>>
          %dma_start3A_71 = arith.constant 0 : i32
          %dma_start3A_72 = tpu.memref_slice %arg9[%dma_start3A_71] : memref<10240xf32, #tpu.memory_space<vmem_shared>> -> memref<10240xf32, #tpu.memory_space<vmem_shared>>
          tpu.enqueue_indirect_dma source(%arg7 : memref<80xf32, #tpu.memory_space<vmem>>) target(%dma_start3A_72 : memref<10240xf32, #tpu.memory_space<vmem_shared>>) offsets(%arg6 : memref<80xi32, #tpu.memory_space<vmem>>) semaphore(%run_scoped3A : memref<!tpu.dma_semaphore, #tpu.memory_space<semaphore_mem>>) {add = true}
          %dma_wait3A_73 = arith.constant 0 : i32
          %dma_wait3A_74 = tpu.memref_slice %arg9[%dma_wait3A_73] : memref<10240xf32, #tpu.memory_space<vmem_shared>> -> memref<10240xf32, #tpu.memory_space<vmem_shared>>
          tpu.wait_indirect_dma semaphore(%run_scoped3A : memref<!tpu.dma_semaphore, #tpu.memory_space<semaphore_mem>>) src(%arg7 : memref<80xf32, #tpu.memory_space<vmem>>) dst(%dma_wait3A_74 : memref<10240xf32, #tpu.memory_space<vmem_shared>>)
          tpu.yield
        }) : () -> ()
      } else {
      }
    }
    %scan3A_32 = arith.constant 42 : i32
    %barrier3A_33 = arith.constant 0 : index
    tpu.barrier barrier_id(%barrier3A_33)
    %mul3A_34 = arith.constant 640 : i32
    %mul3A_35 = arith.muli %arg1, %mul3A_34 : i32
    %mul3A_36 = arith.constant 640 : i32
    %mul3A_37 = arith.muli %arg1, %mul3A_36 : i32
    "tpu.region"() ({
      %run_scoped3A = tpu.sem_alloc : memref<!tpu.dma_semaphore, #tpu.memory_space<semaphore_mem>>
      %dma_start3A_38 = tpu.memref_slice %arg3[%arg0, %mul3A_37] : memref<2x10240xf32, #tpu.memory_space<hbm>> -> memref<1x640xf32, #tpu.memory_space<hbm>>
      %dma_start3A_39 = tpu.memref_squeeze %dma_start3A_38 : memref<1x640xf32, #tpu.memory_space<hbm>> -> memref<640xf32, #tpu.memory_space<hbm>>
      %dma_start3A_40 = tpu.memref_slice %arg9[%mul3A_35] : memref<10240xf32, #tpu.memory_space<vmem_shared>> -> memref<640xf32, #tpu.memory_space<vmem_shared>>
      tpu.enqueue_dma source(%dma_start3A_40 : memref<640xf32, #tpu.memory_space<vmem_shared>>) target(%dma_start3A_39 : memref<640xf32, #tpu.memory_space<hbm>>) target_semaphore(%run_scoped3A : memref<!tpu.dma_semaphore, #tpu.memory_space<semaphore_mem>>)
      %dma_wait3A = tpu.memref_slice %arg3[%arg0, %mul3A_37] : memref<2x10240xf32, #tpu.memory_space<hbm>> -> memref<1x640xf32, #tpu.memory_space<hbm>>
      %dma_wait3A_41 = tpu.memref_squeeze %dma_wait3A : memref<1x640xf32, #tpu.memory_space<hbm>> -> memref<640xf32, #tpu.memory_space<hbm>>
      %dma_wait3A_42 = tpu.memref_slice %arg9[%mul3A_35] : memref<10240xf32, #tpu.memory_space<vmem_shared>> -> memref<640xf32, #tpu.memory_space<vmem_shared>>
      tpu.wait_dma2 semaphore(%run_scoped3A : memref<!tpu.dma_semaphore, #tpu.memory_space<semaphore_mem>>) src(%dma_wait3A_42 : memref<640xf32, #tpu.memory_space<vmem_shared>>) dst(%dma_wait3A_41 : memref<640xf32, #tpu.memory_space<hbm>>)
      tpu.yield
    }) : () -> ()
    return
  }
}

#map = affine_map<(d0, d1) -> (0, 0)>
#map1 = affine_map<(d0, d1) -> (0)>
#map2 = affine_map<(d0, d1) -> (0, 0, 0)>
module attributes {stable_mosaic.version = 14 : i64} {
  func.func @body(%arg0: i32, %arg1: i32, %arg2: memref<10000x128xf32, #tpu.memory_space<hbm>>, %arg3: memref<320000xi32, #tpu.memory_space<hbm>>, %arg4: memref<320000xi32, #tpu.memory_space<hbm>>, %arg5: memref<2x10240x128xf32, #tpu.memory_space<hbm>>, %arg6: memref<80xi32, #tpu.memory_space<vmem>>, %arg7: memref<80xi32, #tpu.memory_space<vmem>>, %arg8: memref<80xi32, #tpu.memory_space<vmem>>, %arg9: memref<80xi32, #tpu.memory_space<vmem>>, %arg10: memref<80xi32, #tpu.memory_space<vmem>>, %arg11: memref<80xi32, #tpu.memory_space<vmem>>, %arg12: memref<80x128xf32, #tpu.memory_space<vmem>>, %arg13: memref<80x128xf32, #tpu.memory_space<vmem>>, %arg14: memref<80x128xf32, #tpu.memory_space<vmem>>, %arg15: memref<128x128xf32, #tpu.memory_space<vmem>>, %arg16: memref<10240x128xf32, #tpu.memory_space<vmem_shared>>, %arg17: memref<!tpu.dma_semaphore, #tpu.memory_space<semaphore_mem>>, %arg18: memref<!tpu.dma_semaphore, #tpu.memory_space<semaphore_mem>>, %arg19: memref<!tpu.dma_semaphore, #tpu.memory_space<semaphore_mem>>, %arg20: memref<!tpu.dma_semaphore, #tpu.memory_space<semaphore_mem>>, %arg21: memref<!tpu.dma_semaphore, #tpu.memory_space<semaphore_mem>>, %arg22: memref<!tpu.dma_semaphore, #tpu.memory_space<semaphore_mem>>) attributes {dimension_semantics = [#tpu.dimension_semantics<core_parallel>, #tpu.dimension_semantics<subcore_parallel>], iteration_bounds = array<i64: 2, 16>, scalar_prefetch = 0 : i64, scratch_operands = 17 : i64, tpu.core_type = #tpu.core_type<sc_vector_subcore>, window_params = [{transform_indices = #map}, {transform_indices = #map1}, {transform_indices = #map1}, {transform_indices = #map2}]} {
    %mul3A = arith.constant 2 : i32
    %mul3A_0 = arith.muli %arg1, %mul3A : i32
    %add3A = arith.addi %mul3A_0, %arg0 : i32
    %broadcast_in_dim3A = arith.constant 0.000000e+00 : f32
    %broadcast_in_dim3A_1 = vector.broadcast %broadcast_in_dim3A : f32 to vector<16xf32>
    %scan3A = arith.constant 0 : i32
    %scan3A_2 = arith.constant 0 : i32
    %scan3A_3 = arith.constant 1024 : i32
    %scan3A_4 = arith.addi %scan3A_2, %scan3A_3 : i32
    %scan3A_5 = arith.constant 1 : i32
    scf.for %scan3A_54 = %scan3A_2 to %scan3A_4 step %scan3A_5  : i32 {
      %jit3A = arith.constant 8 : i32
      %div3A = arith.divsi %scan3A_54, %jit3A : i32
      %sign3A = arith.constant 0 : i32
      %sign3A_55 = arith.cmpi sgt, %scan3A_54, %sign3A : i32
      %sign3A_56 = arith.extui %sign3A_55 : i1 to i32
      %sign3A_57 = arith.constant 0 : i32
      %sign3A_58 = arith.cmpi slt, %scan3A_54, %sign3A_57 : i32
      %sign3A_59 = arith.extui %sign3A_58 : i1 to i32
      %sign3A_60 = arith.subi %sign3A_56, %sign3A_59 : i32
      %sign3A_61 = arith.constant 0 : i32
      %sign3A_62 = arith.cmpi sgt, %jit3A, %sign3A_61 : i32
      %sign3A_63 = arith.extui %sign3A_62 : i1 to i32
      %sign3A_64 = arith.constant 0 : i32
      %sign3A_65 = arith.cmpi slt, %jit3A, %sign3A_64 : i32
      %sign3A_66 = arith.extui %sign3A_65 : i1 to i32
      %sign3A_67 = arith.subi %sign3A_63, %sign3A_66 : i32
      %ne3A = arith.cmpi ne, %sign3A_60, %sign3A_67 : i32
      %rem3A = arith.remsi %scan3A_54, %jit3A : i32
      %ne3A_68 = arith.constant 0 : i32
      %ne3A_69 = arith.cmpi ne, %rem3A, %ne3A_68 : i32
      %and3A = arith.andi %ne3A, %ne3A_69 : i1
      %sub3A = arith.constant 1 : i32
      %sub3A_70 = arith.subi %div3A, %sub3A : i32
      %select_n3A = arith.select %and3A, %sub3A_70, %div3A : i32
      %jit3A_71 = arith.constant 8 : i32
      %eq3A = arith.constant 0 : i32
      %eq3A_72 = arith.cmpi eq, %jit3A_71, %eq3A : i32
      %jit3A_73 = arith.constant 1 : i32
      %select_n3A_74 = arith.select %eq3A_72, %jit3A_73, %jit3A_71 : i32
      %rem3A_75 = arith.remsi %scan3A_54, %select_n3A_74 : i32
      %ne3A_76 = arith.constant 0 : i32
      %ne3A_77 = arith.cmpi ne, %rem3A_75, %ne3A_76 : i32
      %lt3A = arith.constant 0 : i32
      %lt3A_78 = arith.cmpi slt, %rem3A_75, %lt3A : i32
      %lt3A_79 = arith.constant 0 : i32
      %lt3A_80 = arith.cmpi slt, %select_n3A_74, %lt3A_79 : i32
      %ne3A_81 = arith.xori %lt3A_78, %lt3A_80 : i1
      %and3A_82 = arith.andi %ne3A_81, %ne3A_77 : i1
      %add3A_83 = arith.addi %rem3A_75, %select_n3A_74 : i32
      %select_n3A_84 = arith.select %and3A_82, %add3A_83, %rem3A_75 : i32
      %mul3A_85 = arith.constant 16 : i32
      %mul3A_86 = arith.muli %select_n3A_84, %mul3A_85 : i32
      %swap3A = arith.index_cast %select_n3A : i32 to index
      %swap3A_87 = arith.index_cast %mul3A_86 : i32 to index
      %swap3A_88 = tpu.vector_load %arg15[%swap3A, %swap3A_87] {strides = array<i32>} : memref<128x128xf32, #tpu.memory_space<vmem>>, vector<1x16xf32>,
      %swap3A_89 = vector.shape_cast %swap3A_88 : vector<1x16xf32> to vector<16xf32>
      %swap3A_90 = vector.shape_cast %broadcast_in_dim3A_1 : vector<16xf32> to vector<1x16xf32>
      tpu.vector_store %arg15[%swap3A, %swap3A_87], %swap3A_90 {strides = array<i32>} : memref<128x128xf32, #tpu.memory_space<vmem>>, vector<1x16xf32>,
    }
    %scan3A_6 = arith.constant 1024 : i32
    %scan3A_7 = arith.constant 0 : i32
    %scan3A_8 = arith.constant 0 : i32
    %scan3A_9 = arith.constant 5 : i32
    %scan3A_10 = arith.addi %scan3A_8, %scan3A_9 : i32
    %scan3A_11 = arith.constant 1 : i32
    scf.for %scan3A_54 = %scan3A_8 to %scan3A_10 step %scan3A_11  : i32 {
      %mul3A_55 = arith.constant 640 : i32
      %mul3A_56 = arith.muli %arg1, %mul3A_55 : i32
      %mul3A_57 = arith.constant 128 : i32
      %mul3A_58 = arith.muli %scan3A_54, %mul3A_57 : i32
      %add3A_59 = arith.addi %mul3A_56, %mul3A_58 : i32
      "tpu.region"() ({
        %run_scoped3A = tpu.sem_alloc : memref<!tpu.dma_semaphore, #tpu.memory_space<semaphore_mem>>
        %dma_start3A_60 = arith.constant 0 : i32
        %dma_start3A_61 = tpu.memref_slice %arg16[%add3A_59, %dma_start3A_60] : memref<10240x128xf32, #tpu.memory_space<vmem_shared>> -> memref<128x128xf32, #tpu.memory_space<vmem_shared>>
        %dma_start3A_62 = arith.constant 0 : i32
        %dma_start3A_63 = tpu.memref_slice %arg16[%add3A_59, %dma_start3A_62] : memref<10240x128xf32, #tpu.memory_space<vmem_shared>> -> memref<128x128xf32, #tpu.memory_space<vmem_shared>>
        tpu.enqueue_dma source(%arg15 : memref<128x128xf32, #tpu.memory_space<vmem>>) target(%dma_start3A_63 : memref<128x128xf32, #tpu.memory_space<vmem_shared>>) target_semaphore(%run_scoped3A : memref<!tpu.dma_semaphore, #tpu.memory_space<semaphore_mem>>)
        %dma_wait3A_64 = arith.constant 0 : i32
        %dma_wait3A_65 = tpu.memref_slice %arg16[%add3A_59, %dma_wait3A_64] : memref<10240x128xf32, #tpu.memory_space<vmem_shared>> -> memref<128x128xf32, #tpu.memory_space<vmem_shared>>
        %dma_wait3A_66 = arith.constant 0 : i32
        %dma_wait3A_67 = tpu.memref_slice %arg16[%add3A_59, %dma_wait3A_66] : memref<10240x128xf32, #tpu.memory_space<vmem_shared>> -> memref<128x128xf32, #tpu.memory_space<vmem_shared>>
        tpu.wait_dma2 semaphore(%run_scoped3A : memref<!tpu.dma_semaphore, #tpu.memory_space<semaphore_mem>>) src(%arg15 : memref<128x128xf32, #tpu.memory_space<vmem>>) dst(%dma_wait3A_67 : memref<128x128xf32, #tpu.memory_space<vmem_shared>>)
        tpu.yield
      }) : () -> ()
    }
    %scan3A_12 = arith.constant 5 : i32
    %barrier3A = arith.constant 0 : index
    tpu.barrier barrier_id(%barrier3A)
    %mul3A_13 = arith.constant 10000 : i32
    %mul3A_14 = arith.muli %add3A, %mul3A_13 : i32
    %add3A_15 = arith.constant 0 : i32
    %add3A_16 = arith.addi %mul3A_14, %add3A_15 : i32
    %multiple_of3A = tpu.assume_multiple %add3A_16, 8 : i32
    "tpu.region"() ({
      %run_scoped3A = tpu.sem_alloc : memref<!tpu.dma_semaphore, #tpu.memory_space<semaphore_mem>>
      %dma_start3A_54 = tpu.memref_slice %arg4[%multiple_of3A] : memref<320000xi32, #tpu.memory_space<hbm>> -> memref<80xi32, #tpu.memory_space<hbm>>
      %dma_start3A_55 = tpu.memref_slice %arg4[%multiple_of3A] : memref<320000xi32, #tpu.memory_space<hbm>> -> memref<80xi32, #tpu.memory_space<hbm>>
      tpu.enqueue_dma source(%dma_start3A_55 : memref<80xi32, #tpu.memory_space<hbm>>) target(%arg9 : memref<80xi32, #tpu.memory_space<vmem>>) target_semaphore(%run_scoped3A : memref<!tpu.dma_semaphore, #tpu.memory_space<semaphore_mem>>)
      %dma_wait3A_56 = tpu.memref_slice %arg4[%multiple_of3A] : memref<320000xi32, #tpu.memory_space<hbm>> -> memref<80xi32, #tpu.memory_space<hbm>>
      %dma_wait3A_57 = tpu.memref_slice %arg4[%multiple_of3A] : memref<320000xi32, #tpu.memory_space<hbm>> -> memref<80xi32, #tpu.memory_space<hbm>>
      tpu.wait_dma2 semaphore(%run_scoped3A : memref<!tpu.dma_semaphore, #tpu.memory_space<semaphore_mem>>) src(%dma_wait3A_57 : memref<80xi32, #tpu.memory_space<hbm>>) dst(%arg9 : memref<80xi32, #tpu.memory_space<vmem>>)
      tpu.yield
    }) : () -> ()
    "tpu.region"() ({
      %run_scoped3A = tpu.sem_alloc : memref<!tpu.dma_semaphore, #tpu.memory_space<semaphore_mem>>
      %dma_start3A_54 = tpu.memref_slice %arg3[%multiple_of3A] : memref<320000xi32, #tpu.memory_space<hbm>> -> memref<80xi32, #tpu.memory_space<hbm>>
      %dma_start3A_55 = tpu.memref_slice %arg3[%multiple_of3A] : memref<320000xi32, #tpu.memory_space<hbm>> -> memref<80xi32, #tpu.memory_space<hbm>>
      tpu.enqueue_dma source(%dma_start3A_55 : memref<80xi32, #tpu.memory_space<hbm>>) target(%arg6 : memref<80xi32, #tpu.memory_space<vmem>>) target_semaphore(%run_scoped3A : memref<!tpu.dma_semaphore, #tpu.memory_space<semaphore_mem>>)
      %dma_wait3A_56 = tpu.memref_slice %arg3[%multiple_of3A] : memref<320000xi32, #tpu.memory_space<hbm>> -> memref<80xi32, #tpu.memory_space<hbm>>
      %dma_wait3A_57 = tpu.memref_slice %arg3[%multiple_of3A] : memref<320000xi32, #tpu.memory_space<hbm>> -> memref<80xi32, #tpu.memory_space<hbm>>
      tpu.wait_dma2 semaphore(%run_scoped3A : memref<!tpu.dma_semaphore, #tpu.memory_space<semaphore_mem>>) src(%dma_wait3A_57 : memref<80xi32, #tpu.memory_space<hbm>>) dst(%arg6 : memref<80xi32, #tpu.memory_space<vmem>>)
      tpu.yield
    }) : () -> ()
    %dma_start3A = arith.constant 0 : i32
    %dma_start3A_17 = arith.constant 0 : i32
    %dma_start3A_18 = tpu.memref_slice %arg2[%dma_start3A, %dma_start3A_17] : memref<10000x128xf32, #tpu.memory_space<hbm>> -> memref<10000x128xf32, #tpu.memory_space<hbm>>
    tpu.enqueue_indirect_dma source(%dma_start3A_18 : memref<10000x128xf32, #tpu.memory_space<hbm>>) target(%arg12 : memref<80x128xf32, #tpu.memory_space<vmem>>) offsets(%arg6 : memref<80xi32, #tpu.memory_space<vmem>>) semaphore(%arg17 : memref<!tpu.dma_semaphore, #tpu.memory_space<semaphore_mem>>)
    %add3A_19 = arith.constant 80 : i32
    %add3A_20 = arith.addi %mul3A_14, %add3A_19 : i32
    %multiple_of3A_21 = tpu.assume_multiple %add3A_20, 8 : i32
    "tpu.region"() ({
      %run_scoped3A = tpu.sem_alloc : memref<!tpu.dma_semaphore, #tpu.memory_space<semaphore_mem>>
      %dma_start3A_54 = tpu.memref_slice %arg4[%multiple_of3A_21] : memref<320000xi32, #tpu.memory_space<hbm>> -> memref<80xi32, #tpu.memory_space<hbm>>
      %dma_start3A_55 = tpu.memref_slice %arg4[%multiple_of3A_21] : memref<320000xi32, #tpu.memory_space<hbm>> -> memref<80xi32, #tpu.memory_space<hbm>>
      tpu.enqueue_dma source(%dma_start3A_55 : memref<80xi32, #tpu.memory_space<hbm>>) target(%arg10 : memref<80xi32, #tpu.memory_space<vmem>>) target_semaphore(%run_scoped3A : memref<!tpu.dma_semaphore, #tpu.memory_space<semaphore_mem>>)
      %dma_wait3A_56 = tpu.memref_slice %arg4[%multiple_of3A_21] : memref<320000xi32, #tpu.memory_space<hbm>> -> memref<80xi32, #tpu.memory_space<hbm>>
      %dma_wait3A_57 = tpu.memref_slice %arg4[%multiple_of3A_21] : memref<320000xi32, #tpu.memory_space<hbm>> -> memref<80xi32, #tpu.memory_space<hbm>>
      tpu.wait_dma2 semaphore(%run_scoped3A : memref<!tpu.dma_semaphore, #tpu.memory_space<semaphore_mem>>) src(%dma_wait3A_57 : memref<80xi32, #tpu.memory_space<hbm>>) dst(%arg10 : memref<80xi32, #tpu.memory_space<vmem>>)
      tpu.yield
    }) : () -> ()
    "tpu.region"() ({
      %run_scoped3A = tpu.sem_alloc : memref<!tpu.dma_semaphore, #tpu.memory_space<semaphore_mem>>
      %dma_start3A_54 = tpu.memref_slice %arg3[%multiple_of3A_21] : memref<320000xi32, #tpu.memory_space<hbm>> -> memref<80xi32, #tpu.memory_space<hbm>>
      %dma_start3A_55 = tpu.memref_slice %arg3[%multiple_of3A_21] : memref<320000xi32, #tpu.memory_space<hbm>> -> memref<80xi32, #tpu.memory_space<hbm>>
      tpu.enqueue_dma source(%dma_start3A_55 : memref<80xi32, #tpu.memory_space<hbm>>) target(%arg7 : memref<80xi32, #tpu.memory_space<vmem>>) target_semaphore(%run_scoped3A : memref<!tpu.dma_semaphore, #tpu.memory_space<semaphore_mem>>)
      %dma_wait3A_56 = tpu.memref_slice %arg3[%multiple_of3A_21] : memref<320000xi32, #tpu.memory_space<hbm>> -> memref<80xi32, #tpu.memory_space<hbm>>
      %dma_wait3A_57 = tpu.memref_slice %arg3[%multiple_of3A_21] : memref<320000xi32, #tpu.memory_space<hbm>> -> memref<80xi32, #tpu.memory_space<hbm>>
      tpu.wait_dma2 semaphore(%run_scoped3A : memref<!tpu.dma_semaphore, #tpu.memory_space<semaphore_mem>>) src(%dma_wait3A_57 : memref<80xi32, #tpu.memory_space<hbm>>) dst(%arg7 : memref<80xi32, #tpu.memory_space<vmem>>)
      tpu.yield
    }) : () -> ()
    %dma_start3A_22 = arith.constant 0 : i32
    %dma_start3A_23 = arith.constant 0 : i32
    %dma_start3A_24 = tpu.memref_slice %arg2[%dma_start3A_22, %dma_start3A_23] : memref<10000x128xf32, #tpu.memory_space<hbm>> -> memref<10000x128xf32, #tpu.memory_space<hbm>>
    tpu.enqueue_indirect_dma source(%dma_start3A_24 : memref<10000x128xf32, #tpu.memory_space<hbm>>) target(%arg13 : memref<80x128xf32, #tpu.memory_space<vmem>>) offsets(%arg7 : memref<80xi32, #tpu.memory_space<vmem>>) semaphore(%arg18 : memref<!tpu.dma_semaphore, #tpu.memory_space<semaphore_mem>>)
    %add3A_25 = arith.constant 160 : i32
    %add3A_26 = arith.addi %mul3A_14, %add3A_25 : i32
    %multiple_of3A_27 = tpu.assume_multiple %add3A_26, 8 : i32
    "tpu.region"() ({
      %run_scoped3A = tpu.sem_alloc : memref<!tpu.dma_semaphore, #tpu.memory_space<semaphore_mem>>
      %dma_start3A_54 = tpu.memref_slice %arg4[%multiple_of3A_27] : memref<320000xi32, #tpu.memory_space<hbm>> -> memref<80xi32, #tpu.memory_space<hbm>>
      %dma_start3A_55 = tpu.memref_slice %arg4[%multiple_of3A_27] : memref<320000xi32, #tpu.memory_space<hbm>> -> memref<80xi32, #tpu.memory_space<hbm>>
      tpu.enqueue_dma source(%dma_start3A_55 : memref<80xi32, #tpu.memory_space<hbm>>) target(%arg11 : memref<80xi32, #tpu.memory_space<vmem>>) target_semaphore(%run_scoped3A : memref<!tpu.dma_semaphore, #tpu.memory_space<semaphore_mem>>)
      %dma_wait3A_56 = tpu.memref_slice %arg4[%multiple_of3A_27] : memref<320000xi32, #tpu.memory_space<hbm>> -> memref<80xi32, #tpu.memory_space<hbm>>
      %dma_wait3A_57 = tpu.memref_slice %arg4[%multiple_of3A_27] : memref<320000xi32, #tpu.memory_space<hbm>> -> memref<80xi32, #tpu.memory_space<hbm>>
      tpu.wait_dma2 semaphore(%run_scoped3A : memref<!tpu.dma_semaphore, #tpu.memory_space<semaphore_mem>>) src(%dma_wait3A_57 : memref<80xi32, #tpu.memory_space<hbm>>) dst(%arg11 : memref<80xi32, #tpu.memory_space<vmem>>)
      tpu.yield
    }) : () -> ()
    "tpu.region"() ({
      %run_scoped3A = tpu.sem_alloc : memref<!tpu.dma_semaphore, #tpu.memory_space<semaphore_mem>>
      %dma_start3A_54 = tpu.memref_slice %arg3[%multiple_of3A_27] : memref<320000xi32, #tpu.memory_space<hbm>> -> memref<80xi32, #tpu.memory_space<hbm>>
      %dma_start3A_55 = tpu.memref_slice %arg3[%multiple_of3A_27] : memref<320000xi32, #tpu.memory_space<hbm>> -> memref<80xi32, #tpu.memory_space<hbm>>
      tpu.enqueue_dma source(%dma_start3A_55 : memref<80xi32, #tpu.memory_space<hbm>>) target(%arg8 : memref<80xi32, #tpu.memory_space<vmem>>) target_semaphore(%run_scoped3A : memref<!tpu.dma_semaphore, #tpu.memory_space<semaphore_mem>>)
      %dma_wait3A_56 = tpu.memref_slice %arg3[%multiple_of3A_27] : memref<320000xi32, #tpu.memory_space<hbm>> -> memref<80xi32, #tpu.memory_space<hbm>>
      %dma_wait3A_57 = tpu.memref_slice %arg3[%multiple_of3A_27] : memref<320000xi32, #tpu.memory_space<hbm>> -> memref<80xi32, #tpu.memory_space<hbm>>
      tpu.wait_dma2 semaphore(%run_scoped3A : memref<!tpu.dma_semaphore, #tpu.memory_space<semaphore_mem>>) src(%dma_wait3A_57 : memref<80xi32, #tpu.memory_space<hbm>>) dst(%arg8 : memref<80xi32, #tpu.memory_space<vmem>>)
      tpu.yield
    }) : () -> ()
    %dma_start3A_28 = arith.constant 0 : i32
    %dma_start3A_29 = arith.constant 0 : i32
    %dma_start3A_30 = tpu.memref_slice %arg2[%dma_start3A_28, %dma_start3A_29] : memref<10000x128xf32, #tpu.memory_space<hbm>> -> memref<10000x128xf32, #tpu.memory_space<hbm>>
    tpu.enqueue_indirect_dma source(%dma_start3A_30 : memref<10000x128xf32, #tpu.memory_space<hbm>>) target(%arg14 : memref<80x128xf32, #tpu.memory_space<vmem>>) offsets(%arg8 : memref<80xi32, #tpu.memory_space<vmem>>) semaphore(%arg19 : memref<!tpu.dma_semaphore, #tpu.memory_space<semaphore_mem>>)
    %dma_wait3A = arith.constant 0 : i32
    %dma_wait3A_31 = arith.constant 0 : i32
    %dma_wait3A_32 = tpu.memref_slice %arg2[%dma_wait3A, %dma_wait3A_31] : memref<10000x128xf32, #tpu.memory_space<hbm>> -> memref<10000x128xf32, #tpu.memory_space<hbm>>
    tpu.wait_indirect_dma semaphore(%arg17 : memref<!tpu.dma_semaphore, #tpu.memory_space<semaphore_mem>>) src(%dma_wait3A_32 : memref<10000x128xf32, #tpu.memory_space<hbm>>) dst(%arg12 : memref<80x128xf32, #tpu.memory_space<vmem>>)
    %dma_start3A_33 = arith.constant 0 : i32
    %dma_start3A_34 = arith.constant 0 : i32
    %dma_start3A_35 = tpu.memref_slice %arg16[%dma_start3A_33, %dma_start3A_34] : memref<10240x128xf32, #tpu.memory_space<vmem_shared>> -> memref<10240x128xf32, #tpu.memory_space<vmem_shared>>
    tpu.enqueue_indirect_dma source(%arg12 : memref<80x128xf32, #tpu.memory_space<vmem>>) target(%dma_start3A_35 : memref<10240x128xf32, #tpu.memory_space<vmem_shared>>) offsets(%arg9 : memref<80xi32, #tpu.memory_space<vmem>>) semaphore(%arg20 : memref<!tpu.dma_semaphore, #tpu.memory_space<semaphore_mem>>) {add = true}
    %scan3A_36 = arith.constant 0 : i32
    %scan3A_37 = arith.constant 0 : i32
    %scan3A_38 = arith.constant 42 : i32
    %scan3A_39 = arith.addi %scan3A_37, %scan3A_38 : i32
    %scan3A_40 = arith.constant 1 : i32
    scf.for %scan3A_54 = %scan3A_37 to %scan3A_39 step %scan3A_40  : i32 {
      %mul3A_55 = arith.constant 3 : i32
      %mul3A_56 = arith.muli %scan3A_54, %mul3A_55 : i32
      %add3A_57 = arith.constant 1 : i32
      %add3A_58 = arith.addi %add3A_57, %mul3A_56 : i32
      %add3A_59 = arith.constant 0 : i32
      %add3A_60 = arith.addi %add3A_58, %add3A_59 : i32
      %lt3A = arith.constant 125 : i32
      %lt3A_61 = arith.cmpi slt, %add3A_60, %lt3A : i32
      %convert_element_type3A = arith.extui %lt3A_61 : i1 to i32
      %cond3A = arith.constant 0 : i32
      %cond3A_62 = arith.cmpi ne, %convert_element_type3A, %cond3A : i32
      scf.if %cond3A_62 {
        %add3A_77 = arith.constant 2 : i32
        %add3A_78 = arith.addi %add3A_60, %add3A_77 : i32
        %lt3A_79 = arith.constant 125 : i32
        %lt3A_80 = arith.cmpi slt, %add3A_78, %lt3A_79 : i32
        %convert_element_type3A_81 = arith.extui %lt3A_80 : i1 to i32
        %cond3A_82 = arith.constant 0 : i32
        %cond3A_83 = arith.cmpi ne, %convert_element_type3A_81, %cond3A_82 : i32
        scf.if %cond3A_83 {
          %dma_wait3A_90 = arith.constant 0 : i32
          %dma_wait3A_91 = arith.constant 0 : i32
          %dma_wait3A_92 = tpu.memref_slice %arg16[%dma_wait3A_90, %dma_wait3A_91] : memref<10240x128xf32, #tpu.memory_space<vmem_shared>> -> memref<10240x128xf32, #tpu.memory_space<vmem_shared>>
          tpu.wait_indirect_dma semaphore(%arg20 : memref<!tpu.dma_semaphore, #tpu.memory_space<semaphore_mem>>) src(%arg12 : memref<80x128xf32, #tpu.memory_space<vmem>>) dst(%dma_wait3A_92 : memref<10240x128xf32, #tpu.memory_space<vmem_shared>>)
          %add3A_93 = arith.constant 2 : i32
          %add3A_94 = arith.addi %add3A_60, %add3A_93 : i32
          %mul3A_95 = arith.constant 80 : i32
          %mul3A_96 = arith.muli %add3A_94, %mul3A_95 : i32
          %add3A_97 = arith.addi %mul3A_14, %mul3A_96 : i32
          %multiple_of3A_98 = tpu.assume_multiple %add3A_97, 8 : i32
          "tpu.region"() ({
            %run_scoped3A = tpu.sem_alloc : memref<!tpu.dma_semaphore, #tpu.memory_space<semaphore_mem>>
            %dma_start3A_102 = tpu.memref_slice %arg4[%multiple_of3A_98] : memref<320000xi32, #tpu.memory_space<hbm>> -> memref<80xi32, #tpu.memory_space<hbm>>
            %dma_start3A_103 = tpu.memref_slice %arg4[%multiple_of3A_98] : memref<320000xi32, #tpu.memory_space<hbm>> -> memref<80xi32, #tpu.memory_space<hbm>>
            tpu.enqueue_dma source(%dma_start3A_103 : memref<80xi32, #tpu.memory_space<hbm>>) target(%arg9 : memref<80xi32, #tpu.memory_space<vmem>>) target_semaphore(%run_scoped3A : memref<!tpu.dma_semaphore, #tpu.memory_space<semaphore_mem>>)
            %dma_wait3A_104 = tpu.memref_slice %arg4[%multiple_of3A_98] : memref<320000xi32, #tpu.memory_space<hbm>> -> memref<80xi32, #tpu.memory_space<hbm>>
            %dma_wait3A_105 = tpu.memref_slice %arg4[%multiple_of3A_98] : memref<320000xi32, #tpu.memory_space<hbm>> -> memref<80xi32, #tpu.memory_space<hbm>>
            tpu.wait_dma2 semaphore(%run_scoped3A : memref<!tpu.dma_semaphore, #tpu.memory_space<semaphore_mem>>) src(%dma_wait3A_105 : memref<80xi32, #tpu.memory_space<hbm>>) dst(%arg9 : memref<80xi32, #tpu.memory_space<vmem>>)
            tpu.yield
          }) : () -> ()
          "tpu.region"() ({
            %run_scoped3A = tpu.sem_alloc : memref<!tpu.dma_semaphore, #tpu.memory_space<semaphore_mem>>
            %dma_start3A_102 = tpu.memref_slice %arg3[%multiple_of3A_98] : memref<320000xi32, #tpu.memory_space<hbm>> -> memref<80xi32, #tpu.memory_space<hbm>>
            %dma_start3A_103 = tpu.memref_slice %arg3[%multiple_of3A_98] : memref<320000xi32, #tpu.memory_space<hbm>> -> memref<80xi32, #tpu.memory_space<hbm>>
            tpu.enqueue_dma source(%dma_start3A_103 : memref<80xi32, #tpu.memory_space<hbm>>) target(%arg6 : memref<80xi32, #tpu.memory_space<vmem>>) target_semaphore(%run_scoped3A : memref<!tpu.dma_semaphore, #tpu.memory_space<semaphore_mem>>)
            %dma_wait3A_104 = tpu.memref_slice %arg3[%multiple_of3A_98] : memref<320000xi32, #tpu.memory_space<hbm>> -> memref<80xi32, #tpu.memory_space<hbm>>
            %dma_wait3A_105 = tpu.memref_slice %arg3[%multiple_of3A_98] : memref<320000xi32, #tpu.memory_space<hbm>> -> memref<80xi32, #tpu.memory_space<hbm>>
            tpu.wait_dma2 semaphore(%run_scoped3A : memref<!tpu.dma_semaphore, #tpu.memory_space<semaphore_mem>>) src(%dma_wait3A_105 : memref<80xi32, #tpu.memory_space<hbm>>) dst(%arg6 : memref<80xi32, #tpu.memory_space<vmem>>)
            tpu.yield
          }) : () -> ()
          %dma_start3A_99 = arith.constant 0 : i32
          %dma_start3A_100 = arith.constant 0 : i32
          %dma_start3A_101 = tpu.memref_slice %arg2[%dma_start3A_99, %dma_start3A_100] : memref<10000x128xf32, #tpu.memory_space<hbm>> -> memref<10000x128xf32, #tpu.memory_space<hbm>>
          tpu.enqueue_indirect_dma source(%dma_start3A_101 : memref<10000x128xf32, #tpu.memory_space<hbm>>) target(%arg12 : memref<80x128xf32, #tpu.memory_space<vmem>>) offsets(%arg6 : memref<80xi32, #tpu.memory_space<vmem>>) semaphore(%arg17 : memref<!tpu.dma_semaphore, #tpu.memory_space<semaphore_mem>>)
        } else {
        }
        %dma_wait3A_84 = arith.constant 0 : i32
        %dma_wait3A_85 = arith.constant 0 : i32
        %dma_wait3A_86 = tpu.memref_slice %arg2[%dma_wait3A_84, %dma_wait3A_85] : memref<10000x128xf32, #tpu.memory_space<hbm>> -> memref<10000x128xf32, #tpu.memory_space<hbm>>
        tpu.wait_indirect_dma semaphore(%arg18 : memref<!tpu.dma_semaphore, #tpu.memory_space<semaphore_mem>>) src(%dma_wait3A_86 : memref<10000x128xf32, #tpu.memory_space<hbm>>) dst(%arg13 : memref<80x128xf32, #tpu.memory_space<vmem>>)
        %dma_start3A_87 = arith.constant 0 : i32
        %dma_start3A_88 = arith.constant 0 : i32
        %dma_start3A_89 = tpu.memref_slice %arg16[%dma_start3A_87, %dma_start3A_88] : memref<10240x128xf32, #tpu.memory_space<vmem_shared>> -> memref<10240x128xf32, #tpu.memory_space<vmem_shared>>
        tpu.enqueue_indirect_dma source(%arg13 : memref<80x128xf32, #tpu.memory_space<vmem>>) target(%dma_start3A_89 : memref<10240x128xf32, #tpu.memory_space<vmem_shared>>) offsets(%arg10 : memref<80xi32, #tpu.memory_space<vmem>>) semaphore(%arg21 : memref<!tpu.dma_semaphore, #tpu.memory_space<semaphore_mem>>) {add = true}
      } else {
      }
      %add3A_63 = arith.constant 1 : i32
      %add3A_64 = arith.addi %add3A_58, %add3A_63 : i32
      %lt3A_65 = arith.constant 125 : i32
      %lt3A_66 = arith.cmpi slt, %add3A_64, %lt3A_65 : i32
      %convert_element_type3A_67 = arith.extui %lt3A_66 : i1 to i32
      %cond3A_68 = arith.constant 0 : i32
      %cond3A_69 = arith.cmpi ne, %convert_element_type3A_67, %cond3A_68 : i32
      scf.if %cond3A_69 {
        %add3A_77 = arith.constant 2 : i32
        %add3A_78 = arith.addi %add3A_64, %add3A_77 : i32
        %lt3A_79 = arith.constant 125 : i32
        %lt3A_80 = arith.cmpi slt, %add3A_78, %lt3A_79 : i32
        %convert_element_type3A_81 = arith.extui %lt3A_80 : i1 to i32
        %cond3A_82 = arith.constant 0 : i32
        %cond3A_83 = arith.cmpi ne, %convert_element_type3A_81, %cond3A_82 : i32
        scf.if %cond3A_83 {
          %dma_wait3A_90 = arith.constant 0 : i32
          %dma_wait3A_91 = arith.constant 0 : i32
          %dma_wait3A_92 = tpu.memref_slice %arg16[%dma_wait3A_90, %dma_wait3A_91] : memref<10240x128xf32, #tpu.memory_space<vmem_shared>> -> memref<10240x128xf32, #tpu.memory_space<vmem_shared>>
          tpu.wait_indirect_dma semaphore(%arg21 : memref<!tpu.dma_semaphore, #tpu.memory_space<semaphore_mem>>) src(%arg13 : memref<80x128xf32, #tpu.memory_space<vmem>>) dst(%dma_wait3A_92 : memref<10240x128xf32, #tpu.memory_space<vmem_shared>>)
          %add3A_93 = arith.constant 2 : i32
          %add3A_94 = arith.addi %add3A_64, %add3A_93 : i32
          %mul3A_95 = arith.constant 80 : i32
          %mul3A_96 = arith.muli %add3A_94, %mul3A_95 : i32
          %add3A_97 = arith.addi %mul3A_14, %mul3A_96 : i32
          %multiple_of3A_98 = tpu.assume_multiple %add3A_97, 8 : i32
          "tpu.region"() ({
            %run_scoped3A = tpu.sem_alloc : memref<!tpu.dma_semaphore, #tpu.memory_space<semaphore_mem>>
            %dma_start3A_102 = tpu.memref_slice %arg4[%multiple_of3A_98] : memref<320000xi32, #tpu.memory_space<hbm>> -> memref<80xi32, #tpu.memory_space<hbm>>
            %dma_start3A_103 = tpu.memref_slice %arg4[%multiple_of3A_98] : memref<320000xi32, #tpu.memory_space<hbm>> -> memref<80xi32, #tpu.memory_space<hbm>>
            tpu.enqueue_dma source(%dma_start3A_103 : memref<80xi32, #tpu.memory_space<hbm>>) target(%arg10 : memref<80xi32, #tpu.memory_space<vmem>>) target_semaphore(%run_scoped3A : memref<!tpu.dma_semaphore, #tpu.memory_space<semaphore_mem>>)
            %dma_wait3A_104 = tpu.memref_slice %arg4[%multiple_of3A_98] : memref<320000xi32, #tpu.memory_space<hbm>> -> memref<80xi32, #tpu.memory_space<hbm>>
            %dma_wait3A_105 = tpu.memref_slice %arg4[%multiple_of3A_98] : memref<320000xi32, #tpu.memory_space<hbm>> -> memref<80xi32, #tpu.memory_space<hbm>>
            tpu.wait_dma2 semaphore(%run_scoped3A : memref<!tpu.dma_semaphore, #tpu.memory_space<semaphore_mem>>) src(%dma_wait3A_105 : memref<80xi32, #tpu.memory_space<hbm>>) dst(%arg10 : memref<80xi32, #tpu.memory_space<vmem>>)
            tpu.yield
          }) : () -> ()
          "tpu.region"() ({
            %run_scoped3A = tpu.sem_alloc : memref<!tpu.dma_semaphore, #tpu.memory_space<semaphore_mem>>
            %dma_start3A_102 = tpu.memref_slice %arg3[%multiple_of3A_98] : memref<320000xi32, #tpu.memory_space<hbm>> -> memref<80xi32, #tpu.memory_space<hbm>>
            %dma_start3A_103 = tpu.memref_slice %arg3[%multiple_of3A_98] : memref<320000xi32, #tpu.memory_space<hbm>> -> memref<80xi32, #tpu.memory_space<hbm>>
            tpu.enqueue_dma source(%dma_start3A_103 : memref<80xi32, #tpu.memory_space<hbm>>) target(%arg7 : memref<80xi32, #tpu.memory_space<vmem>>) target_semaphore(%run_scoped3A : memref<!tpu.dma_semaphore, #tpu.memory_space<semaphore_mem>>)
            %dma_wait3A_104 = tpu.memref_slice %arg3[%multiple_of3A_98] : memref<320000xi32, #tpu.memory_space<hbm>> -> memref<80xi32, #tpu.memory_space<hbm>>
            %dma_wait3A_105 = tpu.memref_slice %arg3[%multiple_of3A_98] : memref<320000xi32, #tpu.memory_space<hbm>> -> memref<80xi32, #tpu.memory_space<hbm>>
            tpu.wait_dma2 semaphore(%run_scoped3A : memref<!tpu.dma_semaphore, #tpu.memory_space<semaphore_mem>>) src(%dma_wait3A_105 : memref<80xi32, #tpu.memory_space<hbm>>) dst(%arg7 : memref<80xi32, #tpu.memory_space<vmem>>)
            tpu.yield
          }) : () -> ()
          %dma_start3A_99 = arith.constant 0 : i32
          %dma_start3A_100 = arith.constant 0 : i32
          %dma_start3A_101 = tpu.memref_slice %arg2[%dma_start3A_99, %dma_start3A_100] : memref<10000x128xf32, #tpu.memory_space<hbm>> -> memref<10000x128xf32, #tpu.memory_space<hbm>>
          tpu.enqueue_indirect_dma source(%dma_start3A_101 : memref<10000x128xf32, #tpu.memory_space<hbm>>) target(%arg13 : memref<80x128xf32, #tpu.memory_space<vmem>>) offsets(%arg7 : memref<80xi32, #tpu.memory_space<vmem>>) semaphore(%arg18 : memref<!tpu.dma_semaphore, #tpu.memory_space<semaphore_mem>>)
        } else {
        }
        %dma_wait3A_84 = arith.constant 0 : i32
        %dma_wait3A_85 = arith.constant 0 : i32
        %dma_wait3A_86 = tpu.memref_slice %arg2[%dma_wait3A_84, %dma_wait3A_85] : memref<10000x128xf32, #tpu.memory_space<hbm>> -> memref<10000x128xf32, #tpu.memory_space<hbm>>
        tpu.wait_indirect_dma semaphore(%arg19 : memref<!tpu.dma_semaphore, #tpu.memory_space<semaphore_mem>>) src(%dma_wait3A_86 : memref<10000x128xf32, #tpu.memory_space<hbm>>) dst(%arg14 : memref<80x128xf32, #tpu.memory_space<vmem>>)
        %dma_start3A_87 = arith.constant 0 : i32
        %dma_start3A_88 = arith.constant 0 : i32
        %dma_start3A_89 = tpu.memref_slice %arg16[%dma_start3A_87, %dma_start3A_88] : memref<10240x128xf32, #tpu.memory_space<vmem_shared>> -> memref<10240x128xf32, #tpu.memory_space<vmem_shared>>
        tpu.enqueue_indirect_dma source(%arg14 : memref<80x128xf32, #tpu.memory_space<vmem>>) target(%dma_start3A_89 : memref<10240x128xf32, #tpu.memory_space<vmem_shared>>) offsets(%arg11 : memref<80xi32, #tpu.memory_space<vmem>>) semaphore(%arg22 : memref<!tpu.dma_semaphore, #tpu.memory_space<semaphore_mem>>) {add = true}
      } else {
      }
      %add3A_70 = arith.constant 2 : i32
      %add3A_71 = arith.addi %add3A_58, %add3A_70 : i32
      %lt3A_72 = arith.constant 125 : i32
      %lt3A_73 = arith.cmpi slt, %add3A_71, %lt3A_72 : i32
      %convert_element_type3A_74 = arith.extui %lt3A_73 : i1 to i32
      %cond3A_75 = arith.constant 0 : i32
      %cond3A_76 = arith.cmpi ne, %convert_element_type3A_74, %cond3A_75 : i32
      scf.if %cond3A_76 {
        %add3A_77 = arith.constant 2 : i32
        %add3A_78 = arith.addi %add3A_71, %add3A_77 : i32
        %lt3A_79 = arith.constant 125 : i32
        %lt3A_80 = arith.cmpi slt, %add3A_78, %lt3A_79 : i32
        %convert_element_type3A_81 = arith.extui %lt3A_80 : i1 to i32
        %cond3A_82 = arith.constant 0 : i32
        %cond3A_83 = arith.cmpi ne, %convert_element_type3A_81, %cond3A_82 : i32
        scf.if %cond3A_83 {
          %dma_wait3A_90 = arith.constant 0 : i32
          %dma_wait3A_91 = arith.constant 0 : i32
          %dma_wait3A_92 = tpu.memref_slice %arg16[%dma_wait3A_90, %dma_wait3A_91] : memref<10240x128xf32, #tpu.memory_space<vmem_shared>> -> memref<10240x128xf32, #tpu.memory_space<vmem_shared>>
          tpu.wait_indirect_dma semaphore(%arg22 : memref<!tpu.dma_semaphore, #tpu.memory_space<semaphore_mem>>) src(%arg14 : memref<80x128xf32, #tpu.memory_space<vmem>>) dst(%dma_wait3A_92 : memref<10240x128xf32, #tpu.memory_space<vmem_shared>>)
          %add3A_93 = arith.constant 2 : i32
          %add3A_94 = arith.addi %add3A_71, %add3A_93 : i32
          %mul3A_95 = arith.constant 80 : i32
          %mul3A_96 = arith.muli %add3A_94, %mul3A_95 : i32
          %add3A_97 = arith.addi %mul3A_14, %mul3A_96 : i32
          %multiple_of3A_98 = tpu.assume_multiple %add3A_97, 8 : i32
          "tpu.region"() ({
            %run_scoped3A = tpu.sem_alloc : memref<!tpu.dma_semaphore, #tpu.memory_space<semaphore_mem>>
            %dma_start3A_102 = tpu.memref_slice %arg4[%multiple_of3A_98] : memref<320000xi32, #tpu.memory_space<hbm>> -> memref<80xi32, #tpu.memory_space<hbm>>
            %dma_start3A_103 = tpu.memref_slice %arg4[%multiple_of3A_98] : memref<320000xi32, #tpu.memory_space<hbm>> -> memref<80xi32, #tpu.memory_space<hbm>>
            tpu.enqueue_dma source(%dma_start3A_103 : memref<80xi32, #tpu.memory_space<hbm>>) target(%arg11 : memref<80xi32, #tpu.memory_space<vmem>>) target_semaphore(%run_scoped3A : memref<!tpu.dma_semaphore, #tpu.memory_space<semaphore_mem>>)
            %dma_wait3A_104 = tpu.memref_slice %arg4[%multiple_of3A_98] : memref<320000xi32, #tpu.memory_space<hbm>> -> memref<80xi32, #tpu.memory_space<hbm>>
            %dma_wait3A_105 = tpu.memref_slice %arg4[%multiple_of3A_98] : memref<320000xi32, #tpu.memory_space<hbm>> -> memref<80xi32, #tpu.memory_space<hbm>>
            tpu.wait_dma2 semaphore(%run_scoped3A : memref<!tpu.dma_semaphore, #tpu.memory_space<semaphore_mem>>) src(%dma_wait3A_105 : memref<80xi32, #tpu.memory_space<hbm>>) dst(%arg11 : memref<80xi32, #tpu.memory_space<vmem>>)
            tpu.yield
          }) : () -> ()
          "tpu.region"() ({
            %run_scoped3A = tpu.sem_alloc : memref<!tpu.dma_semaphore, #tpu.memory_space<semaphore_mem>>
            %dma_start3A_102 = tpu.memref_slice %arg3[%multiple_of3A_98] : memref<320000xi32, #tpu.memory_space<hbm>> -> memref<80xi32, #tpu.memory_space<hbm>>
            %dma_start3A_103 = tpu.memref_slice %arg3[%multiple_of3A_98] : memref<320000xi32, #tpu.memory_space<hbm>> -> memref<80xi32, #tpu.memory_space<hbm>>
            tpu.enqueue_dma source(%dma_start3A_103 : memref<80xi32, #tpu.memory_space<hbm>>) target(%arg8 : memref<80xi32, #tpu.memory_space<vmem>>) target_semaphore(%run_scoped3A : memref<!tpu.dma_semaphore, #tpu.memory_space<semaphore_mem>>)
            %dma_wait3A_104 = tpu.memref_slice %arg3[%multiple_of3A_98] : memref<320000xi32, #tpu.memory_space<hbm>> -> memref<80xi32, #tpu.memory_space<hbm>>
            %dma_wait3A_105 = tpu.memref_slice %arg3[%multiple_of3A_98] : memref<320000xi32, #tpu.memory_space<hbm>> -> memref<80xi32, #tpu.memory_space<hbm>>
            tpu.wait_dma2 semaphore(%run_scoped3A : memref<!tpu.dma_semaphore, #tpu.memory_space<semaphore_mem>>) src(%dma_wait3A_105 : memref<80xi32, #tpu.memory_space<hbm>>) dst(%arg8 : memref<80xi32, #tpu.memory_space<vmem>>)
            tpu.yield
          }) : () -> ()
          %dma_start3A_99 = arith.constant 0 : i32
          %dma_start3A_100 = arith.constant 0 : i32
          %dma_start3A_101 = tpu.memref_slice %arg2[%dma_start3A_99, %dma_start3A_100] : memref<10000x128xf32, #tpu.memory_space<hbm>> -> memref<10000x128xf32, #tpu.memory_space<hbm>>
          tpu.enqueue_indirect_dma source(%dma_start3A_101 : memref<10000x128xf32, #tpu.memory_space<hbm>>) target(%arg14 : memref<80x128xf32, #tpu.memory_space<vmem>>) offsets(%arg8 : memref<80xi32, #tpu.memory_space<vmem>>) semaphore(%arg19 : memref<!tpu.dma_semaphore, #tpu.memory_space<semaphore_mem>>)
        } else {
        }
        %dma_wait3A_84 = arith.constant 0 : i32
        %dma_wait3A_85 = arith.constant 0 : i32
        %dma_wait3A_86 = tpu.memref_slice %arg2[%dma_wait3A_84, %dma_wait3A_85] : memref<10000x128xf32, #tpu.memory_space<hbm>> -> memref<10000x128xf32, #tpu.memory_space<hbm>>
        tpu.wait_indirect_dma semaphore(%arg17 : memref<!tpu.dma_semaphore, #tpu.memory_space<semaphore_mem>>) src(%dma_wait3A_86 : memref<10000x128xf32, #tpu.memory_space<hbm>>) dst(%arg12 : memref<80x128xf32, #tpu.memory_space<vmem>>)
        %dma_start3A_87 = arith.constant 0 : i32
        %dma_start3A_88 = arith.constant 0 : i32
        %dma_start3A_89 = tpu.memref_slice %arg16[%dma_start3A_87, %dma_start3A_88] : memref<10240x128xf32, #tpu.memory_space<vmem_shared>> -> memref<10240x128xf32, #tpu.memory_space<vmem_shared>>
        tpu.enqueue_indirect_dma source(%arg12 : memref<80x128xf32, #tpu.memory_space<vmem>>) target(%dma_start3A_89 : memref<10240x128xf32, #tpu.memory_space<vmem_shared>>) offsets(%arg9 : memref<80xi32, #tpu.memory_space<vmem>>) semaphore(%arg20 : memref<!tpu.dma_semaphore, #tpu.memory_space<semaphore_mem>>) {add = true}
      } else {
      }
    }
    %scan3A_41 = arith.constant 42 : i32
    %dma_wait3A_42 = arith.constant 0 : i32
    %dma_wait3A_43 = arith.constant 0 : i32
    %dma_wait3A_44 = tpu.memref_slice %arg16[%dma_wait3A_42, %dma_wait3A_43] : memref<10240x128xf32, #tpu.memory_space<vmem_shared>> -> memref<10240x128xf32, #tpu.memory_space<vmem_shared>>
    tpu.wait_indirect_dma semaphore(%arg20 : memref<!tpu.dma_semaphore, #tpu.memory_space<semaphore_mem>>) src(%arg12 : memref<80x128xf32, #tpu.memory_space<vmem>>) dst(%dma_wait3A_44 : memref<10240x128xf32, #tpu.memory_space<vmem_shared>>)
    %dma_wait3A_45 = arith.constant 0 : i32
    %dma_wait3A_46 = arith.constant 0 : i32
    %dma_wait3A_47 = tpu.memref_slice %arg16[%dma_wait3A_45, %dma_wait3A_46] : memref<10240x128xf32, #tpu.memory_space<vmem_shared>> -> memref<10240x128xf32, #tpu.memory_space<vmem_shared>>
    tpu.wait_indirect_dma semaphore(%arg21 : memref<!tpu.dma_semaphore, #tpu.memory_space<semaphore_mem>>) src(%arg13 : memref<80x128xf32, #tpu.memory_space<vmem>>) dst(%dma_wait3A_47 : memref<10240x128xf32, #tpu.memory_space<vmem_shared>>)
    %dma_wait3A_48 = arith.constant 0 : i32
    %dma_wait3A_49 = arith.constant 0 : i32
    %dma_wait3A_50 = tpu.memref_slice %arg16[%dma_wait3A_48, %dma_wait3A_49] : memref<10240x128xf32, #tpu.memory_space<vmem_shared>> -> memref<10240x128xf32, #tpu.memory_space<vmem_shared>>
    tpu.wait_indirect_dma semaphore(%arg22 : memref<!tpu.dma_semaphore, #tpu.memory_space<semaphore_mem>>) src(%arg14 : memref<80x128xf32, #tpu.memory_space<vmem>>) dst(%dma_wait3A_50 : memref<10240x128xf32, #tpu.memory_space<vmem_shared>>)
    %barrier3A_51 = arith.constant 0 : index
    tpu.barrier barrier_id(%barrier3A_51)
    %mul3A_52 = arith.constant 640 : i32
    %mul3A_53 = arith.muli %arg1, %mul3A_52 : i32
    "tpu.region"() ({
      %run_scoped3A = tpu.sem_alloc : memref<!tpu.dma_semaphore, #tpu.memory_space<semaphore_mem>>
      %dma_start3A_54 = arith.constant 0 : i32
      %dma_start3A_55 = tpu.memref_slice %arg5[%arg0, %mul3A_53, %dma_start3A_54] : memref<2x10240x128xf32, #tpu.memory_space<hbm>> -> memref<1x640x128xf32, #tpu.memory_space<hbm>>
      %dma_start3A_56 = tpu.memref_squeeze %dma_start3A_55 : memref<1x640x128xf32, #tpu.memory_space<hbm>> -> memref<640x128xf32, #tpu.memory_space<hbm>>
      %dma_start3A_57 = arith.constant 0 : i32
      %dma_start3A_58 = tpu.memref_slice %arg16[%mul3A_53, %dma_start3A_57] : memref<10240x128xf32, #tpu.memory_space<vmem_shared>> -> memref<640x128xf32, #tpu.memory_space<vmem_shared>>
      tpu.enqueue_dma source(%dma_start3A_58 : memref<640x128xf32, #tpu.memory_space<vmem_shared>>) target(%dma_start3A_56 : memref<640x128xf32, #tpu.memory_space<hbm>>) target_semaphore(%run_scoped3A : memref<!tpu.dma_semaphore, #tpu.memory_space<semaphore_mem>>)
      %dma_wait3A_59 = arith.constant 0 : i32
      %dma_wait3A_60 = tpu.memref_slice %arg5[%arg0, %mul3A_53, %dma_wait3A_59] : memref<2x10240x128xf32, #tpu.memory_space<hbm>> -> memref<1x640x128xf32, #tpu.memory_space<hbm>>
      %dma_wait3A_61 = tpu.memref_squeeze %dma_wait3A_60 : memref<1x640x128xf32, #tpu.memory_space<hbm>> -> memref<640x128xf32, #tpu.memory_space<hbm>>
      %dma_wait3A_62 = arith.constant 0 : i32
      %dma_wait3A_63 = tpu.memref_slice %arg16[%mul3A_53, %dma_wait3A_62] : memref<10240x128xf32, #tpu.memory_space<vmem_shared>> -> memref<640x128xf32, #tpu.memory_space<vmem_shared>>
      tpu.wait_dma2 semaphore(%run_scoped3A : memref<!tpu.dma_semaphore, #tpu.memory_space<semaphore_mem>>) src(%dma_wait3A_63 : memref<640x128xf32, #tpu.memory_space<vmem_shared>>) dst(%dma_wait3A_61 : memref<640x128xf32, #tpu.memory_space<hbm>>)
      tpu.yield
    }) : () -> ()
    return
  }
}

module attributes {stable_mosaic.version = 14 : i64} {
  func.func @_scale_kernel(%arg0: i32, %arg1: memref<1x2000x1xf32, #tpu.memory_space<vmem>>, %arg2: memref<1x2000x1xf32, #tpu.memory_space<vmem>>, %arg3: memref<2000x128xf32, #tpu.memory_space<vmem>>, %arg4: memref<2000x1xf32, #tpu.memory_space<vmem>>, %arg5: memref<2000x128xf32, #tpu.memory_space<vmem>>) attributes {dimension_semantics = [#tpu.dimension_semantics<arbitrary>], iteration_bounds = array<i64: 5>, scalar_prefetch = 0 : i64, scratch_operands = 0 : i64, tpu.core_type = #tpu.core_type<tc>, window_params = [{transform_indices = @transform_0, window_bounds = array<i64: 1, 2000, 1>}, {transform_indices = @transform_1, window_bounds = array<i64: 1, 2000, 1>}, {transform_indices = @transform_2, window_bounds = array<i64: 2000, 128>}, {transform_indices = @transform_3, window_bounds = array<i64: 2000, 1>}, {transform_indices = @transform_4, window_bounds = array<i64: 2000, 128>}]} {
    %get3A = arith.constant 0 : index
    %get3A_0 = arith.constant 0 : index
    %get3A_1 = arith.constant 0 : index
    %get3A_2 = vector.load %arg1[%get3A, %get3A_0, %get3A_1] : memref<1x2000x1xf32, #tpu.memory_space<vmem>>, vector<1x2000x1xf32>
    %get3A_3 = vector.shape_cast %get3A_2 : vector<1x2000x1xf32> to vector<2000x1xf32>
    %get3A_4 = arith.constant 0 : index
    %get3A_5 = arith.constant 0 : index
    %get3A_6 = arith.constant 0 : index
    %get3A_7 = vector.load %arg2[%get3A_4, %get3A_5, %get3A_6] : memref<1x2000x1xf32, #tpu.memory_space<vmem>>, vector<1x2000x1xf32>
    %get3A_8 = vector.shape_cast %get3A_7 : vector<1x2000x1xf32> to vector<2000x1xf32>
    %add3A = arith.addf %get3A_3, %get3A_8 : vector<2000x1xf32>
    %add3A_9 = arith.constant 1.000000e+00 : f32
    %add3A_10 = vector.broadcast %add3A_9 : f32 to vector<2000x1xf32>
    %add3A_11 = arith.addf %add3A, %add3A_10 : vector<2000x1xf32>
    %rsqrt3A = math.rsqrt %add3A_11 : vector<2000x1xf32>
    %swap3A = arith.constant 0 : index
    %swap3A_12 = arith.constant 0 : index
    %swap3A_13 = vector.load %arg4[%swap3A, %swap3A_12] : memref<2000x1xf32, #tpu.memory_space<vmem>>, vector<2000x1xf32>
    tpu.vector_store %arg4[%swap3A, %swap3A_12], %rsqrt3A {strides = array<i32>} : memref<2000x1xf32, #tpu.memory_space<vmem>>, vector<2000x1xf32>,
    %get3A_14 = arith.constant 0 : index
    %get3A_15 = arith.constant 0 : index
    %get3A_16 = vector.load %arg3[%get3A_14, %get3A_15] : memref<2000x128xf32, #tpu.memory_space<vmem>>, vector<2000x128xf32>
    %mul3A = vector.broadcast %rsqrt3A : vector<2000x1xf32> to vector<2000x128xf32>
    %mul3A_17 = arith.mulf %get3A_16, %mul3A : vector<2000x128xf32>
    %swap3A_18 = arith.constant 0 : index
    %swap3A_19 = arith.constant 0 : index
    %swap3A_20 = vector.load %arg5[%swap3A_18, %swap3A_19] : memref<2000x128xf32, #tpu.memory_space<vmem>>, vector<2000x128xf32>
    tpu.vector_store %arg5[%swap3A_18, %swap3A_19], %mul3A_17 {strides = array<i32>} : memref<2000x128xf32, #tpu.memory_space<vmem>>, vector<2000x128xf32>,
    return
  }
  func.func @transform_0(%arg0: i32) -> (i32, i32, i32) {
    %c0_i32 = arith.constant 0 : i32
    %c0_i32_0 = arith.constant 0 : i32
    %c0_i32_1 = arith.constant 0 : i32
    return %c0_i32, %arg0, %c0_i32_0 : i32, i32, i32
  }
  func.func @transform_1(%arg0: i32) -> (i32, i32, i32) {
    %c1_i32 = arith.constant 1 : i32
    %c0_i32 = arith.constant 0 : i32
    %c0_i32_0 = arith.constant 0 : i32
    return %c1_i32, %arg0, %c0_i32 : i32, i32, i32
  }
  func.func @transform_2(%arg0: i32) -> (i32, i32) {
    %c0_i32 = arith.constant 0 : i32
    %c0_i32_0 = arith.constant 0 : i32
    return %arg0, %c0_i32 : i32, i32
  }
  func.func @transform_3(%arg0: i32) -> (i32, i32) {
    %c0_i32 = arith.constant 0 : i32
    %c0_i32_0 = arith.constant 0 : i32
    return %arg0, %c0_i32 : i32, i32
  }
  func.func @transform_4(%arg0: i32) -> (i32, i32) {
    %c0_i32 = arith.constant 0 : i32
    %c0_i32_0 = arith.constant 0 : i32
    return %arg0, %c0_i32 : i32, i32
  }
}

module attributes {stable_mosaic.version = 14 : i64} {
  func.func @_mlp_kernel(%arg0: i32, %arg1: memref<1x2000x128xf32, #tpu.memory_space<vmem>>, %arg2: memref<1x2000x128xf32, #tpu.memory_space<vmem>>, %arg3: memref<2000x128xf32, #tpu.memory_space<vmem>>, %arg4: memref<2000x1xf32, #tpu.memory_space<vmem>>, %arg5: memref<128x256xf32, #tpu.memory_space<vmem>>, %arg6: memref<1x256xf32, #tpu.memory_space<vmem>>, %arg7: memref<256x64xf32, #tpu.memory_space<vmem>>, %arg8: memref<2000x128xf32, #tpu.memory_space<vmem>>) attributes {dimension_semantics = [#tpu.dimension_semantics<arbitrary>], iteration_bounds = array<i64: 5>, scalar_prefetch = 0 : i64, scratch_operands = 0 : i64, tpu.core_type = #tpu.core_type<tc>, window_params = [{transform_indices = @transform_0, window_bounds = array<i64: 1, 2000, 128>}, {transform_indices = @transform_1, window_bounds = array<i64: 1, 2000, 128>}, {transform_indices = @transform_2, window_bounds = array<i64: 2000, 128>}, {transform_indices = @transform_3, window_bounds = array<i64: 2000, 1>}, {pipeline_mode = #tpu.pipeline_mode<synchronous>, transform_indices = @transform_4, window_bounds = array<i64: 128, 256>}, {pipeline_mode = #tpu.pipeline_mode<synchronous>, transform_indices = @transform_5, window_bounds = array<i64: 1, 256>}, {pipeline_mode = #tpu.pipeline_mode<synchronous>, transform_indices = @transform_6, window_bounds = array<i64: 256, 64>}, {transform_indices = @transform_7, window_bounds = array<i64: 2000, 128>}]} {
    %get3A = arith.constant 0 : index
    %get3A_0 = arith.constant 0 : index
    %get3A_1 = vector.load %arg4[%get3A, %get3A_0] : memref<2000x1xf32, #tpu.memory_space<vmem>>, vector<2000x1xf32>
    %get3A_2 = arith.constant 0 : index
    %get3A_3 = arith.constant 0 : index
    %get3A_4 = arith.constant 0 : index
    %get3A_5 = vector.load %arg1[%get3A_2, %get3A_3, %get3A_4] : memref<1x2000x128xf32, #tpu.memory_space<vmem>>, vector<1x2000x128xf32>
    %get3A_6 = vector.shape_cast %get3A_5 : vector<1x2000x128xf32> to vector<2000x128xf32>
    %get3A_7 = arith.constant 0 : index
    %get3A_8 = arith.constant 0 : index
    %get3A_9 = arith.constant 0 : index
    %get3A_10 = vector.load %arg2[%get3A_7, %get3A_8, %get3A_9] : memref<1x2000x128xf32, #tpu.memory_space<vmem>>, vector<1x2000x128xf32>
    %get3A_11 = vector.shape_cast %get3A_10 : vector<1x2000x128xf32> to vector<2000x128xf32>
    %add3A = arith.addf %get3A_6, %get3A_11 : vector<2000x128xf32>
    %get3A_12 = arith.constant 0 : index
    %get3A_13 = arith.constant 0 : index
    %get3A_14 = vector.load %arg3[%get3A_12, %get3A_13] : memref<2000x128xf32, #tpu.memory_space<vmem>>, vector<2000x128xf32>
    %add3A_15 = arith.addf %add3A, %get3A_14 : vector<2000x128xf32>
    %mul3A = vector.broadcast %get3A_1 : vector<2000x1xf32> to vector<2000x128xf32>
    %mul3A_16 = arith.mulf %mul3A, %add3A_15 : vector<2000x128xf32>
    %get3A_17 = arith.constant 0 : index
    %get3A_18 = arith.constant 0 : index
    %get3A_19 = vector.load %arg5[%get3A_17, %get3A_18] : memref<128x256xf32, #tpu.memory_space<vmem>>, vector<128x256xf32>
    %dot_general3A = arith.constant dense<0.000000e+00> : vector<2000x256xf32>
    %dot_general3A_20 = tpu.matmul %mul3A_16, %get3A_19, %dot_general3A {dimension_numbers = #tpu.dot_dimension_numbers<[1], [0], [0], [1], [0, 0, 1, 1], [], []>, transpose_lhs_hint = false} : vector<2000x128xf32>, vector<128x256xf32>, vector<2000x256xf32> -> vector<2000x256xf32>
    %get3A_21 = arith.constant 0 : index
    %get3A_22 = arith.constant 0 : index
    %get3A_23 = vector.load %arg6[%get3A_21, %get3A_22] : memref<1x256xf32, #tpu.memory_space<vmem>>, vector<1x256xf32>
    %add3A_24 = vector.broadcast %get3A_23 : vector<1x256xf32> to vector<2000x256xf32>
    %add3A_25 = arith.addf %dot_general3A_20, %add3A_24 : vector<2000x256xf32>
    %max3A = arith.constant 0.000000e+00 : f32
    %max3A_26 = vector.broadcast %max3A : f32 to vector<2000x256xf32>
    %max3A_27 = arith.maximumf %add3A_25, %max3A_26 : vector<2000x256xf32>
    %get3A_28 = arith.constant 0 : index
    %get3A_29 = arith.constant 0 : index
    %get3A_30 = vector.load %arg7[%get3A_28, %get3A_29] : memref<256x64xf32, #tpu.memory_space<vmem>>, vector<256x64xf32>
    %dot_general3A_31 = arith.constant dense<0.000000e+00> : vector<2000x64xf32>
    %dot_general3A_32 = tpu.matmul %max3A_27, %get3A_30, %dot_general3A_31 {dimension_numbers = #tpu.dot_dimension_numbers<[1], [0], [0], [1], [0, 0, 1, 1], [], []>, transpose_lhs_hint = false} : vector<2000x256xf32>, vector<256x64xf32>, vector<2000x64xf32> -> vector<2000x64xf32>
    %mul3A_33 = vector.broadcast %get3A_1 : vector<2000x1xf32> to vector<2000x64xf32>
    %mul3A_34 = arith.mulf %mul3A_33, %dot_general3A_32 : vector<2000x64xf32>
    %broadcast_in_dim3A = arith.constant 0.000000e+00 : f32
    %broadcast_in_dim3A_35 = vector.broadcast %broadcast_in_dim3A : f32 to vector<2000x64xf32>
    %concatenate3A = tpu.concatenate %mul3A_34, %broadcast_in_dim3A_35 in 1 : vector<2000x64xf32>, vector<2000x64xf32> -> vector<2000x128xf32>
    %swap3A = arith.constant 0 : index
    %swap3A_36 = arith.constant 0 : index
    %swap3A_37 = vector.load %arg8[%swap3A, %swap3A_36] : memref<2000x128xf32, #tpu.memory_space<vmem>>, vector<2000x128xf32>
    tpu.vector_store %arg8[%swap3A, %swap3A_36], %concatenate3A {strides = array<i32>} : memref<2000x128xf32, #tpu.memory_space<vmem>>, vector<2000x128xf32>,
    return
  }
  func.func @transform_0(%arg0: i32) -> (i32, i32, i32) {
    %c0_i32 = arith.constant 0 : i32
    %c0_i32_0 = arith.constant 0 : i32
    %c0_i32_1 = arith.constant 0 : i32
    return %c0_i32, %arg0, %c0_i32_0 : i32, i32, i32
  }
  func.func @transform_1(%arg0: i32) -> (i32, i32, i32) {
    %c1_i32 = arith.constant 1 : i32
    %c0_i32 = arith.constant 0 : i32
    %c0_i32_0 = arith.constant 0 : i32
    return %c1_i32, %arg0, %c0_i32 : i32, i32, i32
  }
  func.func @transform_2(%arg0: i32) -> (i32, i32) {
    %c0_i32 = arith.constant 0 : i32
    %c0_i32_0 = arith.constant 0 : i32
    return %arg0, %c0_i32 : i32, i32
  }
  func.func @transform_3(%arg0: i32) -> (i32, i32) {
    %c0_i32 = arith.constant 0 : i32
    %c0_i32_0 = arith.constant 0 : i32
    return %arg0, %c0_i32 : i32, i32
  }
  func.func @transform_4(%arg0: i32) -> (i32, i32) {
    %c0_i32 = arith.constant 0 : i32
    %c0_i32_0 = arith.constant 0 : i32
    %c0_i32_1 = arith.constant 0 : i32
    return %c0_i32, %c0_i32_0 : i32, i32
  }
  func.func @transform_5(%arg0: i32) -> (i32, i32) {
    %c0_i32 = arith.constant 0 : i32
    %c0_i32_0 = arith.constant 0 : i32
    %c0_i32_1 = arith.constant 0 : i32
    return %c0_i32, %c0_i32_0 : i32, i32
  }
  func.func @transform_6(%arg0: i32) -> (i32, i32) {
    %c0_i32 = arith.constant 0 : i32
    %c0_i32_0 = arith.constant 0 : i32
    %c0_i32_1 = arith.constant 0 : i32
    return %c0_i32, %c0_i32_0 : i32, i32
  }
  func.func @transform_7(%arg0: i32) -> (i32, i32) {
    %c0_i32 = arith.constant 0 : i32
    %c0_i32_0 = arith.constant 0 : i32
    return %arg0, %c0_i32 : i32, i32
  }
}

module attributes {stable_mosaic.version = 14 : i64} {
  func.func @_out_kernel(%arg0: i32, %arg1: memref<1x2000x128xf32, #tpu.memory_space<vmem>>, %arg2: memref<1x2000x128xf32, #tpu.memory_space<vmem>>, %arg3: memref<2000x128xf32, #tpu.memory_space<vmem>>, %arg4: memref<2000x1xf32, #tpu.memory_space<vmem>>, %arg5: memref<1x64xf32, #tpu.memory_space<vmem>>, %arg6: memref<2000x64xf32, #tpu.memory_space<vmem>>) attributes {dimension_semantics = [#tpu.dimension_semantics<arbitrary>], iteration_bounds = array<i64: 5>, scalar_prefetch = 0 : i64, scratch_operands = 0 : i64, tpu.core_type = #tpu.core_type<tc>, window_params = [{transform_indices = @transform_0, window_bounds = array<i64: 1, 2000, 128>}, {transform_indices = @transform_1, window_bounds = array<i64: 1, 2000, 128>}, {transform_indices = @transform_2, window_bounds = array<i64: 2000, 128>}, {transform_indices = @transform_3, window_bounds = array<i64: 2000, 1>}, {pipeline_mode = #tpu.pipeline_mode<synchronous>, transform_indices = @transform_4, window_bounds = array<i64: 1, 64>}, {transform_indices = @transform_5, window_bounds = array<i64: 2000, 64>}]} {
    %get3A = arith.constant 0 : index
    %get3A_0 = arith.constant 0 : index
    %get3A_1 = vector.load %arg4[%get3A, %get3A_0] : memref<2000x1xf32, #tpu.memory_space<vmem>>, vector<2000x1xf32>
    %get3A_2 = arith.constant 0 : index
    %get3A_3 = arith.constant 0 : index
    %get3A_4 = arith.constant 0 : index
    %get3A_5 = vector.load %arg1[%get3A_2, %get3A_3, %get3A_4] : memref<1x2000x128xf32, #tpu.memory_space<vmem>>, vector<1x2000x64xf32>
    %get3A_6 = vector.shape_cast %get3A_5 : vector<1x2000x64xf32> to vector<2000x64xf32>
    %get3A_7 = arith.constant 0 : index
    %get3A_8 = arith.constant 0 : index
    %get3A_9 = arith.constant 0 : index
    %get3A_10 = vector.load %arg2[%get3A_7, %get3A_8, %get3A_9] : memref<1x2000x128xf32, #tpu.memory_space<vmem>>, vector<1x2000x64xf32>
    %get3A_11 = vector.shape_cast %get3A_10 : vector<1x2000x64xf32> to vector<2000x64xf32>
    %add3A = arith.addf %get3A_6, %get3A_11 : vector<2000x64xf32>
    %get3A_12 = arith.constant 0 : index
    %get3A_13 = arith.constant 0 : index
    %get3A_14 = vector.load %arg3[%get3A_12, %get3A_13] : memref<2000x128xf32, #tpu.memory_space<vmem>>, vector<2000x64xf32>
    %add3A_15 = arith.addf %add3A, %get3A_14 : vector<2000x64xf32>
    %mul3A = vector.broadcast %get3A_1 : vector<2000x1xf32> to vector<2000x64xf32>
    %mul3A_16 = arith.mulf %mul3A, %add3A_15 : vector<2000x64xf32>
    %get3A_17 = arith.constant 0 : index
    %get3A_18 = arith.constant 0 : index
    %get3A_19 = vector.load %arg5[%get3A_17, %get3A_18] : memref<1x64xf32, #tpu.memory_space<vmem>>, vector<1x64xf32>
    %add3A_20 = vector.broadcast %get3A_19 : vector<1x64xf32> to vector<2000x64xf32>
    %add3A_21 = arith.addf %mul3A_16, %add3A_20 : vector<2000x64xf32>
    %reduce_max3A = arith.constant dense<0xFF800000> : vector<2000xf32>
    %reduce_max3A_22 = vector.multi_reduction <maximumf>, %add3A_21, %reduce_max3A [1] : vector<2000x64xf32> to vector<2000xf32>
    %broadcast_in_dim3A = vector.shape_cast %reduce_max3A_22 : vector<2000xf32> to vector<2000x1xf32>
    %sub3A = vector.broadcast %broadcast_in_dim3A : vector<2000x1xf32> to vector<2000x64xf32>
    %sub3A_23 = arith.subf %add3A_21, %sub3A : vector<2000x64xf32>
    %exp3A = math.exp %sub3A_23 : vector<2000x64xf32>
    %reduce_sum3A = arith.constant dense<0.000000e+00> : vector<2000xf32>
    %reduce_sum3A_24 = vector.multi_reduction <add>, %exp3A, %reduce_sum3A [1] : vector<2000x64xf32> to vector<2000xf32>
    %broadcast_in_dim3A_25 = vector.shape_cast %reduce_sum3A_24 : vector<2000xf32> to vector<2000x1xf32>
    %sub3A_26 = vector.broadcast %broadcast_in_dim3A : vector<2000x1xf32> to vector<2000x64xf32>
    %sub3A_27 = arith.subf %add3A_21, %sub3A_26 : vector<2000x64xf32>
    %log3A = math.log %broadcast_in_dim3A_25 : vector<2000x1xf32>
    %sub3A_28 = vector.broadcast %log3A : vector<2000x1xf32> to vector<2000x64xf32>
    %sub3A_29 = arith.subf %sub3A_27, %sub3A_28 : vector<2000x64xf32>
    %swap3A = arith.constant 0 : index
    %swap3A_30 = arith.constant 0 : index
    %swap3A_31 = vector.load %arg6[%swap3A, %swap3A_30] : memref<2000x64xf32, #tpu.memory_space<vmem>>, vector<2000x64xf32>
    tpu.vector_store %arg6[%swap3A, %swap3A_30], %sub3A_29 {strides = array<i32>} : memref<2000x64xf32, #tpu.memory_space<vmem>>, vector<2000x64xf32>,
    return
  }
  func.func @transform_0(%arg0: i32) -> (i32, i32, i32) {
    %c0_i32 = arith.constant 0 : i32
    %c0_i32_0 = arith.constant 0 : i32
    %c0_i32_1 = arith.constant 0 : i32
    return %c0_i32, %arg0, %c0_i32_0 : i32, i32, i32
  }
  func.func @transform_1(%arg0: i32) -> (i32, i32, i32) {
    %c1_i32 = arith.constant 1 : i32
    %c0_i32 = arith.constant 0 : i32
    %c0_i32_0 = arith.constant 0 : i32
    return %c1_i32, %arg0, %c0_i32 : i32, i32, i32
  }
  func.func @transform_2(%arg0: i32) -> (i32, i32) {
    %c0_i32 = arith.constant 0 : i32
    %c0_i32_0 = arith.constant 0 : i32
    return %arg0, %c0_i32 : i32, i32
  }
  func.func @transform_3(%arg0: i32) -> (i32, i32) {
    %c0_i32 = arith.constant 0 : i32
    %c0_i32_0 = arith.constant 0 : i32
    return %arg0, %c0_i32 : i32, i32
  }
  func.func @transform_4(%arg0: i32) -> (i32, i32) {
    %c0_i32 = arith.constant 0 : i32
    %c0_i32_0 = arith.constant 0 : i32
    %c0_i32_1 = arith.constant 0 : i32
    return %c0_i32, %c0_i32_0 : i32, i32
  }
  func.func @transform_5(%arg0: i32) -> (i32, i32) {
    %c0_i32 = arith.constant 0 : i32
    %c0_i32_0 = arith.constant 0 : i32
    return %arg0, %c0_i32 : i32, i32
  }
}

</mosaic_0001>

<sc_bundles>
// kernel: kernel.11.cloned.1.call-start
scs
__scs_entry_jumppad:
0x0: {  	(pc) =	sbr.rel $0x88, $3  }
0x1: {  	(tag) =	ssettag $0x0;
	lr =	simm.s32 $0x1  }
0x2: {  	[smem:$0x3F9B] =	sst lr;
	_ =	strace $0xD0000000  }
0x3: {  	_ = 	snop  }
0x4: {  	_ = 	snop  }
0x5: {  	_ = 	snop  }
0x6: {  	_ = 	snop  }
0x7: {  	_ = 	snop  }
__scs_overlays_trampoline_lowered:
0x8: {  	[smem:$0x3FAA] =	sst s0  }
0x9: {  	[smem:$0x3FAB] =	sst s1  }
0xa: {  	[smem:$0x3FAC] =	sst s2  }
0xb: {  	[smem:$0x3FAD] =	sst s3  }
0xc: {  	[smem:$0x3FAE] =	sst s4  }
0xd: {  	[smem:$0x3FAF] =	sst s5  }
0xe: {  	[smem:$0x3FB0] =	sst s6  }
0xf: {  	[smem:$0x3FB1] =	sst s7  }
0x10: {  	[smem:$0x3FB2] =	sst s8  }
0x11: {  	[smem:$0x3FB3] =	sst s9;
	s0 =	simm.s32 @!p0 $0x0  }
0x12: {  	s1 =	sld [smem:$0x3F99];
	s0 =	simm.s32 @p0 $0x1  }
0x13: {  	[smem:$0x3FB4] =	sst s0;
	s0 =	simm.s32 @!p1 $0x0  }
0x14: {  	s2 =	sld [smem:$0x3F98];
	s0 =	simm.s32 @p1 $0x1  }
0x15: {  	[smem:$0x3FB5] =	sst s0;
	s0 =	simm.s32 @!p2 $0x0  }
0x16: {  	s3 =	sld [smem:$0x3FDB];
	s0 =	simm.s32 @p2 $0x1  }
0x17: {  	s4 =	simm.s32 $0x1BF5;
	[smem:$0x3FB7] =	sst s0  }
0x18: {  	s0 =	sld [smem:$0x3F9A];
	_ =	swait.ge [sflag:s4], $0x0  }
0x19: {  	s7 =	sld [smem:$0x3F9B]  }
0x1a: {  	s8 =	sadd.s32 $0xFFFFE003, lr  }
0x1b: {  	s9 =	sadd.s32 $0xFFFFFEF7, lr;
	s5 =	simm.s32 $0xFFFFFFFF;
	p2 =	slt.u32 s8, $0xFFFFF086  }
0x1c: {  	p1 =	slt.u32 s9, $0xF7A;
	s5 =	simm.s32 @!p2 $0x0  }
0x1d: {  	s5 =	simm.s32 @p1 $0x1;
	p0 =	seq.s32 s7, s2  }
0x1e: {  	s7 =	smul.u32 @!p0 $0xF7A, s2;
	p2 =	seq.s32 @!p0 s5, $0x0  }
0x1f: {  	s9 =	smul.u32 $0xF7A, s1;
	s8 =	simm.s32 @!p0 $0x1BF5;
	p2 =	por !p2, p0  }
0x20: {  	[sflag:s8] =	ssyncset.s32 @!p0 $0xFFFFF086;
	s6 =	sadd.s32 @!p0 s3, s7;
	s7 =	simm.s32 @!p0 $0x108  }
0x21: {  	s3 =	sadd.s32 s3, s9;
	s6 =	sadd.s32 @!p0 $0x88, s6;
	s7 =	simm.s32 @p2 $0x1082  }
0x22: {  	[simem:s7], [sflag:s8] =	dma.local @!p0 [hbm:s6], $0xF7A  }
0x23: {  	s9 =	sor.u32 $0xD0000000, s2;
	s6 =	simm.s32 $0x108;
	_ =	swait.ge @!p0 [sflag:s8], $0x0  }
0x24: {  	s3 =	sadd.s32 $0x88, s3;
	s6 =	simm.s32 @!p1 $0x1082;
	[sflag:s4] =	ssyncset.s32 $0xFFFFF086  }
0x25: {  	[simem:s6], [sflag:s4] =	dma.local [hbm:s3], $0xF7A  }
0x26: {  	[smem:$0x3F9B] =	sst s1;
	(tag) =	ssettag s2;
	_ =	strace s9  }
0x27: {  	s1 =	sld [smem:$0x3FAB]  }
0x28: {  	s2 =	sld [smem:$0x3FAC]  }
0x29: {  	s4 =	sld [smem:$0x3FAE]  }
0x2a: {  	p0 =	seq.s32 s5, $0x0;
	s5 =	sld [smem:$0x3FAF]  }
0x2b: {  	s6 =	sld [smem:$0x3FB0]  }
0x2c: {  	s7 =	sld [smem:$0x3FB1]  }
0x2d: {  	s3 =	simm.s32 $0x108;
	s8 =	sld [smem:$0x3FB2]  }
0x2e: {  	s3 =	simm.s32 @!p0 $0x1082;
	s9 =	sld [smem:$0x3FB3]  }
0x2f: {  	lr =	sadd.s32 s0, s3;
	s0 =	sld [smem:$0x3FAA]  }
0x30: {  	s3 =	sld [smem:$0x3FAD]  }
0x31: {  	[smem:$0x3FB6] =	sst s10  }
0x32: {  	s10 =	sld [smem:$0x3FB4];
	_ =	sdelay $0x3  }
0x33: {  	p0 =	seq.s32 s10, $0x1;
	s10 =	sld [smem:$0x3FB6];
	_ =	sdelay $0x3  }
0x34: {  	[smem:$0x3FB6] =	sst s10  }
0x35: {  	s10 =	sld [smem:$0x3FB5];
	_ =	sdelay $0x3  }
0x36: {  	p1 =	seq.s32 s10, $0x1;
	s10 =	sld [smem:$0x3FB6];
	_ =	sdelay $0x3  }
0x37: {  	[smem:$0x3FB6] =	sst s10  }
0x38: {  	s10 =	sld [smem:$0x3FB7]  }
0x39: {  	_ = 	snop;
	(pc) =	sbr.ind lr, $3  }
0x3a: {  	_ = 	snop  }
0x3b: {  	_ = 	snop  }
0x3c: {  	p2 =	seq.s32 s10, $0x1;
	s10 =	sld [smem:$0x3FB6]  }
0x3d: {  	_ =	shalt  }
0x3e: {  	_ =	shalt  }
0x3f: {  	_ =	shalt  }
0x40: {  	_ =	shalt  }
0x41: {  	_ =	shalt  }
0x42: {  	_ =	shalt  }
0x43: {  	_ =	shalt  }
0x44: {  	_ =	shalt  }
0x45: {  	_ =	shalt  }
0x46: {  	_ =	shalt  }
0x47: {  	_ =	shalt  }
0x48: {  	_ =	shalt  }
0x49: {  	_ =	shalt  }
0x4a: {  	_ =	shalt  }
0x4b: {  	_ =	shalt  }
0x4c: {  	_ =	shalt  }
0x4d: {  	_ =	shalt  }
0x4e: {  	_ =	shalt  }
0x4f: {  	_ =	shalt  }
0x50: {  	_ =	shalt  }
0x51: {  	_ =	shalt  }
0x52: {  	_ =	shalt  }
0x53: {  	_ =	shalt  }
0x54: {  	_ =	shalt  }
0x55: {  	_ =	shalt  }
0x56: {  	_ =	shalt  }
0x57: {  	_ =	shalt  }
0x58: {  	_ =	shalt  }
0x59: {  	_ =	shalt  }
0x5a: {  	_ =	shalt  }
0x5b: {  	_ =	shalt  }
0x5c: {  	_ =	shalt  }
0x5d: {  	_ =	shalt  }
0x5e: {  	_ =	shalt  }
0x5f: {  	_ =	shalt  }
0x60: {  	_ =	shalt  }
0x61: {  	_ =	shalt  }
0x62: {  	_ =	shalt  }
0x63: {  	_ =	shalt  }
0x64: {  	_ =	shalt  }
0x65: {  	_ =	shalt  }
0x66: {  	_ =	shalt  }
0x67: {  	_ =	shalt  }
0x68: {  	_ =	shalt  }
0x69: {  	_ =	shalt  }
0x6a: {  	_ =	shalt  }
0x6b: {  	_ =	shalt  }
0x6c: {  	_ =	shalt  }
0x6d: {  	_ =	shalt  }
0x6e: {  	_ =	shalt  }
0x6f: {  	_ =	shalt  }
0x70: {  	_ =	shalt  }
0x71: {  	_ =	shalt  }
0x72: {  	_ =	shalt  }
0x73: {  	_ =	shalt  }
0x74: {  	_ =	shalt  }
0x75: {  	_ =	shalt  }
0x76: {  	_ =	shalt  }
0x77: {  	_ =	shalt  }
0x78: {  	_ =	shalt  }
0x79: {  	_ =	shalt  }
0x7a: {  	_ =	shalt  }
0x7b: {  	_ =	shalt  }
0x7c: {  	_ =	shalt  }
0x7d: {  	_ =	shalt  }
0x7e: {  	_ =	shalt  }
0x7f: {  	_ =	shalt  }
0x80: {  	_ =	shalt  }
0x81: {  	_ =	shalt  }
0x82: {  	_ =	shalt  }
0x83: {  	_ =	shalt  }
0x84: {  	_ =	shalt  }
0x85: {  	_ =	shalt  }
0x86: {  	_ =	shalt  }
0x87: {  	_ =	shalt  }
.Lfunc_end0:
.L_simem_size_0:
called_computation.1_lowered:
.L_overlay_start_0:
0x88: {  	s2 =	sld [smem:$0x3FD9]  }
0x89: {  	s3 =	sld [smem:$0x3FFE];
	_ =	sdelay $0x1  }
0x8a: {  	s1 =	srdreg.scid  }
0x8b: {  	s0 =	sand.u32 $0x1, s1  }
0x8c: {  	s17 =	sshll.u32 s0, $0xA;
	s2 =	sadd.s32 s3, s2  }
0x8d: {  	s2 =	sadd.s32 s2, s17  }
0x8e: {  	[smem:$0x3FC2] =	sst s2  }
0x8f: {  	_ = 	snop  }
0x90: {  	s2 =	sld [smem:$0x3FD0];
	(tm) =	ssettm $0x1  }
0x91: {  	s18 =	sld [smem:$0x3FFB];
	_ =	sdelay $0x3  }
0x92: {  	_ =	strace s18  }
0x93: {  	s3 =	sld [smem:$0x3FFC];
	_ =	sdelay $0x3  }
0x94: {  	_ =	strace s3  }
0x95: {  	s3 =	sld [smem:$0x3FFD];
	_ =	sdelay $0x3  }
0x96: {  	_ =	strace s3  }
0x97: {  	_ =	strace $0x8FFFFFFF  }
0x98: {  	s19 =	sld [smem:$0x3FDB];
	_ =	sdelay $0x1  }
0x99: {  	s4 =	simm.s32 $_scs_section_size  }
0x9a: {  	s5 =	simm.s32 $_size__tile_overlayer_lowered;
	s6 =	simm.s32 $_tile_overlayer_lowered  }
0x9b: {  	s22 =	simm.s32 $0x1BFF;
	s21 =	sshll.u32 s6, $0x1;
	s3 =	sadd.s32 s4, s19  }
0x9c: {  	s7 =	simm.s32 $0x0;
	s20 =	sshll.u32 s5, $0x1;
	s5 =	sadd.s32 s21, s3  }
0x9d: {  	[timem:s7], [sflag:s22] =	dma.local [hbm:s5], s20  }
0x9e: {  	_ =	swait.ge [sflag:s22], s20  }
0x9f: {  	s4 =	ssub.s32 $0x0, s20;
	[sflag:s22] =	ssyncset.done $0x0  }
0xa0: {  	[sflag:s22] =	ssyncadd.s32 s4;
	_ =	sdelay $0x1  }
0xa1: {  	s23 =	simm.s32 $0x1B8B  }
0xa2: {  	_ =	swait.ge [sflag:s23], $0x1  }
0xa3: {  	[sflag:s23] =	ssyncset.done $0x0  }
0xa4: {  	s25 =	simm.s32 $0x1B8E;
	s24 =	sld [smem:$0x3FFE];
	[sflag:s23] =	ssyncadd.s32 $0xFFFFFFFF  }
0xa5: {  	s26 =	simm.s32 $execute0_lowered;
	[smem:$0x3FD2] =	sst s25  }
0xa6: {  	s5 =	sshll.u32 s26, $0x1;
	_ =	strace $0x80000049;
	[dreg:$0x1] =	wrdreg $0xFFFFFFFF  }
0xa7: {  	s28 =	simm.s32 $_size_execute0_lowered;
	s3 =	sadd.s32 s3, s5;
	[dreg:$0x0] =	wrdreg $0x0  }
0xa8: {  	s5 =	sshll.u32 s28, $0x1;
	[dreg:$0x2] =	wrdreg s3  }
0xa9: {  	[dreg:$0x3] =	wrdreg s5  }
0xaa: {  	[dreg:$0x4] =	wrdreg $0xC0  }
0xab: {  	_ =	task [dreg:s7], $0x5FFFF  }
0xac: {  	[dreg:$0x1] =	wrdreg $0xFFFFFFFF  }
0xad: {  	[dreg:$0x0] =	wrdreg $0x60  }
0xae: {  	[dreg:$0x2] =	wrdreg s24  }
0xaf: {  	[dreg:$0x3] =	wrdreg s2  }
0xb0: {  	[dreg:$0x4] =	wrdreg $0xBB000  }
0xb1: {  	[dreg:$0x5] =	wrdreg $0x9  }
0xb2: {  	_ =	task.clear_ibuf [dreg:s7], $0x6FFFF;
	_ =	strace $0x90000049  }
0xb3: {  	s29 =	simm.s32 $0x9;
	_ =	strace $0x8000004B  }
0xb4: {  	_ =	swait.ge [sflag:s29], $0x1  }
0xb5: {  	[sflag:s29] =	ssyncadd.s32 $0xFFFFFFFF  }
0xb6: {  	_ =	strace $0x9000004B  }
0xb7: {  	_ =	sfence  }
0xb8: {  	s30 =	sld [smem:$0x0];
	_ =	sdelay $0x2  }
0xb9: {  	s31 =	sshll.u32 s1, $0xD;
	s1 =	sshrl.u32 s1, $0x2  }
0xba: {  	s3 =	sand.u32 $0x4000, s31;
	s1 =	sadd.s32 s1, s30  }
0xbb: {  	s0 =	sor.u32 s3, s0;
	s1 =	sshll.u32 s1, $0x11  }
0xbc: {  	s0 =	sor.u32 s1, s0  }
0xbd: {  	s0 =	sadd.s32 $0x8F2B, s0  }
0xbe: {  	[sflag:s0] =	ssyncadd.remote.s32 $0x1  }
0xbf: {  	_ =	sfence.sel $0xFFFF  }
0xc0: {  	[dreg:$0x0] =	wrdreg $0xFFFFFFFF;
	(pc) =	sbr.abs _section_cstart, $3  }
0xc1: {  	[dreg:$0x1] =	wrdreg $0xFFFFFFFF  }
0xc2: {  	_ =	task.clear_ibuf [dreg:s7], $0x2FFFF;
	_ =	strace $0x9FFFFFFF  }
0xc3: {  	(tm) =	ssettm $0x7FFFFFFF  }
tec
execute0_lowered:
.L_overlay_start_1:
0x0: {  	(tag) =	ssettag $0x1  }
0x1: {  	s0 =	rddreg [dreg:$0x0]  }
0x2: {  	s1 =	rddreg [dreg:$0x1]  }
0x3: {  	s2 =	rddreg [dreg:$0x2];
	s3 =	srdreg.scid  }
0x4: {  	s4 =	simm.s32 $0x0;
	s11 =	stileid.u32;
	s28 =	simm.s32 $0x180  }
0x5: {  	s29 =	simm.s32 $0x50;
	s30 =	simm.s32 $0x300;
	s7 =	smul.u32 $0x14000, s11  }
0x6: {  	s31 =	simm.s32 $0x200;
	s3 =	sand.u32 $0x1, s3;
	s23 =	smul.u32 $0x50000, s11  }
0x7: {  	[smem:$0x7FF] =	sst s4;
	s8 =	sshll.u32 s11, $0x1;
	s11 =	smul.u32 $0x4E20, s11  }
0x8: {  	s5 =	sadd.s32 $0xC200, s0;
	s6 =	smul.u32 $0x140000, s3;
	_ =	strace $0x8000004A  }
0x9: {  	s22 =	sor.u32 s3, s8;
	s10 =	ssub.s32 $0x2, s3;
	s3 =	smul.u32 $0x2710, s3  }
0xa: {  	s24 =	sshrl.u32 s10, $0x1;
	s8 =	sshrl.u32 s23, $0x2;
	s6 =	sadd.s32 s7, s6  }
0xb: {  	s7 =	smul.u32 $0x2710, s22;
	s26 =	sadd.s32 s8, s2;
	s19 =	sadd.s32 s3, s11  }
0xc: {  	s11 =	simm.s32 $0x1;
	s9 =	sshrl.u32 s6, $0x3;
	s6 =	sadd.s32 $0x2400, s0  }
0xd: {  	s18 =	sadd.s32 $0x4000, s26;
	s22 =	sadd.s32 $0x8000, s26;
	[dreg:$0x4] =	wrdreg s26  }
0xe: {  	s23 =	sadd.s32 $0xC000, s26;
	s0 =	sadd.s32 s9, s0;
	[dreg:$0xd] =	wrdreg s18  }
0xf: {  	s9 =	ssub.s32 s10, s24;
	s25 =	sshrl.u32 s7, $0x3;
	[dreg:$0xe] =	wrdreg s22  }
0x10: {  	[dreg:$0xf] =	wrdreg s23;
	s24 =	sadd.s32 $0x140, s19;
	s7 =	sadd.s32 $0x10000, s26  }
0x11: {  	s13 =	sadd.s32 s6, s25;
	s14 =	sadd.s32 $0xA, s25;
	s12 =	sadd.s32 s1, s25  }
0x12: {  	s16 =	sadd.s32 $0x14, s25;
	s0 =	sadd.s32 $0x33400, s0;
	[dreg:$0x10] =	wrdreg s7  }
0x13: {  	s17 =	smax.u32 s9, $0x1;
	s3 =	sshrl.u32 s24, $0x3;
	[dreg:$0x5] =	wrdreg s13  }
0x14: {  	s25 =	sadd.s32 $0x190, s19;
	[dreg:$0x6] =	wrdreg s12;
	s15 =	sadd.s32 s6, s14  }
0x15: {  	s8 =	sadd.s32 s1, s14;
	s10 =	sadd.s32 s6, s16;
	[dreg:$0xb] =	wrdreg s0  }
0x16: {  	[dreg:$0xc] =	wrdreg s17;
	s20 =	sadd.s32 s3, s1;
	s21 =	sadd.s32 s3, s6  }
0x17: {  	s26 =	sshrl.u32 s25, $0x3;
	s0 =	sadd.s32 $0xF0, s19;
	s3 =	simm.s32 $0x2B00  }
0x18: {  	s12 =	simm.s32 $0x2;
	s13 =	simm.s32 $0x4;
	[dreg:$0x7] =	wrdreg s15  }
.Ltmp0:
0x19: {  	s14 =	simm.s32 $0x5;
	[dreg:$0x8] =	wrdreg s8;
	(pc) =	sbr.rel .LBB2_1-.Ltmp0, $4  }
0x1a: {  	s17 =	simm.s32 $0x0;
	[dreg:$0x9] =	wrdreg s10;
	s8 =	sadd.s32 s1, s16  }
0x1b: {  	s22 =	sadd.s32 s26, s1;
	s23 =	sadd.s32 s26, s6;
	[dreg:$0x11] =	wrdreg s0  }
0x1c: {  	s26 =	simm.s32 $0x7;
	s0 =	simm.s32 $0x80;
	s10 =	simm.s32 $0x5300  }
0x1d: {  	v0 =	vimm.f32 $0.0e+00;
	s16 =	simm.s32 $0x3;
	[dreg:$0xa] =	wrdreg s8;
	s8 =	simm.s32 $0x280  }
.LBB2_8:
0x1e: {  	_ =	swait.ge [sflag:s12], $0x2800  }
0x1f: {  	[sflag:s12] =	ssyncset.done $0x0  }
0x20: {  	[sflag:s12] =	ssyncadd.s32 $0xFFFFD800  }
0x21: {  	[spmem:s2] =	stream.indirect.scatter.add.f32 [tilespmem:s3], [sflag:$0x5], $0x80, s31, s29, $0xb8;
	[tilespmem:$0x1FB00] =	vst v63  }
.LBB2_6:
0x22: {  	_ =	swait.ge [sflag:s13], $0x2800  }
0x23: {  	[sflag:s13] =	ssyncset.done $0x0  }
0x24: {  	[sflag:s13] =	ssyncadd.s32 $0xFFFFD800  }
0x25: {  	_ =	swait.ge [sflag:s14], $0x2800  }
0x26: {  	[sflag:s14] =	ssyncset.done $0x0  }
0x27: {  	s7 =	simm.s32 $0x6;
	[sflag:s14] =	ssyncadd.s32 $0xFFFFD800  }
0x28: {  	_ =	swait.ge [sflag:s7], $0x2800  }
0x29: {  	[sflag:s7] =	ssyncset.done $0x0  }
0x2a: {  	[sflag:s7] =	ssyncadd.s32 $0xFFFFD800  }
0x2b: {  	s24 =	stileid.u32;
	[bflag:$0x0] =	sbarrier.arrive $0xFFFF  }
0x2c: {  	s7 =	sshll.u32 s24, $0x6;
	s9 =	rddreg [dreg:$0x4]  }
0x2d: {  	s7 =	sor.u32 $0x1C07, s7;
	s15 =	rddreg [dreg:$0xb];
	s9 =	sshrl.u32 s9, $0x3  }
0x2e: {  	[hbm:s15], [sflag:s7] =	dma.local [spmem:s9], $0x2800  }
0x2f: {  	_ =	swait.ge [sflag:s26], $0x2800  }
0x30: {  	s17 =	sadd.s32 $0x1, s17;
	s25 =	rddreg [dreg:$0xc]  }
0x31: {  	p0 =	sne.s32 s17, s25  }
.Ltmp1:
0x32: {  	_ = 	snop;
	(pc) =	sbr.rel @!p0 .LBB2_7-.Ltmp1, $3  }
0x33: {  	_ =	sdelay $0x1  }
0x34: {  	[sflag:s26] =	ssyncset.done $0x0  }
0x35: {  	[sflag:s26] =	ssyncadd.s32 $0xFFFFD800  }
.LBB2_1:
0x36: {  	s18 =	sand.u32 $0xFE00, s4  }
0x37: {  	s19 =	sand.u32 $0x70, s4;
	s24 =	sshrl.u32 s18, $0x2  }
0x38: {  	s18 =	simm.s32 $0x40;
	s24 =	sor.u32 s19, s24;
	s19 =	simm.s32 $0x0  }
.LBB2_2:
0x39: {  	p0 =	sne.s32 s18, $0xFFC0  }
0x3a: {  	[tilespmem:s24+$0x7B00] =	vst v0;
	s19 =	sadd.s32 $0x10, s19;
	s24 =	smov.u32 s18;
	s18 =	sadd.s32 $0x40, s18  }
.Ltmp2:
0x3b: {  	(pc) =	sbr.rel @p0 .LBB2_2-.Ltmp2, $4  }
0x3c: {  	_ = 	snop  }
0x3d: {  	s24 =	sand.u32 $0xFE00, s24  }
0x3e: {  	s9 =	sand.u32 $0x70, s19;
	s24 =	sshrl.u32 s24, $0x2  }
0x3f: {  	s24 =	sor.u32 s9, s24  }
0x40: {  	[tilespmem:s24+$0x7B00] =	vst v0;
	s7 =	rddreg [dreg:$0x4];
	s9 =	simm.s32 $0x7B00  }
0x41: {  	[spmem:s7] =	stream.linear.scatter [tilespmem:s9], [sflag:$0x7], $0x4000, $0x38;
	[tilespmem:$0x1FB00] =	vst v63  }
0x42: {  	_ =	swait.ge [sflag:s26], $0x4000  }
0x43: {  	[sflag:s26] =	ssyncset.done $0x0  }
0x44: {  	s25 =	rddreg [dreg:$0xd];
	[sflag:s26] =	ssyncadd.s32 $0xFFFFC000  }
0x45: {  	[spmem:s25] =	stream.linear.scatter [tilespmem:s9], [sflag:$0x7], $0x4000, $0x38;
	[tilespmem:$0x1FB00] =	vst v63  }
0x46: {  	_ =	swait.ge [sflag:s26], $0x4000  }
0x47: {  	[sflag:s26] =	ssyncset.done $0x0  }
0x48: {  	s15 =	rddreg [dreg:$0xe];
	[sflag:s26] =	ssyncadd.s32 $0xFFFFC000  }
0x49: {  	[spmem:s15] =	stream.linear.scatter [tilespmem:s9], [sflag:$0x7], $0x4000, $0x38;
	[tilespmem:$0x1FB00] =	vst v63  }
0x4a: {  	_ =	swait.ge [sflag:s26], $0x4000  }
0x4b: {  	[sflag:s26] =	ssyncset.done $0x0  }
0x4c: {  	s18 =	rddreg [dreg:$0xf];
	[sflag:s26] =	ssyncadd.s32 $0xFFFFC000  }
0x4d: {  	[spmem:s18] =	stream.linear.scatter [tilespmem:s9], [sflag:$0x7], $0x4000, $0x38;
	[tilespmem:$0x1FB00] =	vst v63  }
0x4e: {  	_ =	swait.ge [sflag:s26], $0x4000  }
0x4f: {  	[sflag:s26] =	ssyncset.done $0x0  }
0x50: {  	s19 =	rddreg [dreg:$0x10];
	[sflag:s26] =	ssyncadd.s32 $0xFFFFC000  }
0x51: {  	[spmem:s19] =	stream.linear.scatter [tilespmem:s9], [sflag:$0x7], $0x4000, $0x38;
	[tilespmem:$0x1FB00] =	vst v63  }
0x52: {  	_ =	swait.ge [sflag:s26], $0x4000  }
0x53: {  	[sflag:s26] =	ssyncset.done $0x0  }
0x54: {  	[sflag:s26] =	ssyncadd.s32 $0xFFFFC000  }
0x55: {  	[bflag:$0x0] =	sbarrier.arrive $0xFFFF  }
0x56: {  	s18 =	simm.s32 $0x0;
	s24 =	rddreg [dreg:$0x5]  }
0x57: {  	[tilespmem:s28], [sflag:$0x7] =	stream.linear.gather [hbm4b:s24+s18], $0x50, $0x38;
	[tilespmem:$0x1FB00] =	vst v63  }
0x58: {  	_ =	swait.ge [sflag:s26], $0x50  }
0x59: {  	[sflag:s26] =	ssyncset.done $0x0  }
0x5a: {  	s25 =	rddreg [dreg:$0x6];
	[sflag:s26] =	ssyncadd.s32 $0xFFFFFFB0  }
0x5b: {  	[tilespmem:s18], [sflag:$0x7] =	stream.linear.gather [hbm4b:s25+s18], $0x50, $0x38;
	[tilespmem:$0x1FB00] =	vst v63  }
0x5c: {  	_ =	swait.ge [sflag:s26], $0x50  }
0x5d: {  	[sflag:s26] =	ssyncset.done $0x0  }
0x5e: {  	[sflag:s26] =	ssyncadd.s32 $0xFFFFFFB0  }
0x5f: {  	[tilespmem:s30], [sflag:$0x1] =	stream.indirect.gather [hbm4b:s5+s29], $0x80, s18, s29, $0xb8;
	[tilespmem:$0x1FB00] =	vst v63  }
0x60: {  	s9 =	rddreg [dreg:$0x7]  }
0x61: {  	[tilespmem:s31], [sflag:$0x7] =	stream.linear.gather [hbm4b:s9+s18], $0x50, $0x38;
	[tilespmem:$0x1FB00] =	vst v63  }
0x62: {  	_ =	swait.ge [sflag:s26], $0x50  }
0x63: {  	[sflag:s26] =	ssyncset.done $0x0  }
0x64: {  	s15 =	rddreg [dreg:$0x8];
	[sflag:s26] =	ssyncadd.s32 $0xFFFFFFB0  }
0x65: {  	[tilespmem:s0], [sflag:$0x7] =	stream.linear.gather [hbm4b:s15+s18], $0x50, $0x38;
	[tilespmem:$0x1FB00] =	vst v63  }
0x66: {  	_ =	swait.ge [sflag:s26], $0x50  }
0x67: {  	[sflag:s26] =	ssyncset.done $0x0  }
0x68: {  	[sflag:s26] =	ssyncadd.s32 $0xFFFFFFB0  }
0x69: {  	[tilespmem:s3], [sflag:$0x2] =	stream.indirect.gather [hbm4b:s5+s29], $0x80, s0, s29, $0xb8;
	[tilespmem:$0x1FB00] =	vst v63  }
0x6a: {  	s19 =	rddreg [dreg:$0x9]  }
0x6b: {  	[tilespmem:s8], [sflag:$0x7] =	stream.linear.gather [hbm4b:s19+s18], $0x50, $0x38;
	[tilespmem:$0x1FB00] =	vst v63  }
0x6c: {  	_ =	swait.ge [sflag:s26], $0x50  }
0x6d: {  	[sflag:s26] =	ssyncset.done $0x0  }
0x6e: {  	s25 =	simm.s32 $0x100;
	s24 =	rddreg [dreg:$0xa];
	[sflag:s26] =	ssyncadd.s32 $0xFFFFFFB0  }
0x6f: {  	[tilespmem:s25], [sflag:$0x7] =	stream.linear.gather [hbm4b:s24+s18], $0x50, $0x38;
	[tilespmem:$0x1FB00] =	vst v63  }
0x70: {  	_ =	swait.ge [sflag:s26], $0x50  }
0x71: {  	[sflag:s26] =	ssyncset.done $0x0  }
0x72: {  	[sflag:s26] =	ssyncadd.s32 $0xFFFFFFB0  }
0x73: {  	[tilespmem:s10], [sflag:$0x3] =	stream.indirect.gather [hbm4b:s5+s29], $0x80, s25, s29, $0xb8;
	[tilespmem:$0x1FB00] =	vst v63  }
0x74: {  	_ =	swait.ge [sflag:s11], $0x2800  }
0x75: {  	[sflag:s11] =	ssyncset.done $0x0  }
0x76: {  	s19 =	simm.s32 $0x0;
	s24 =	rddreg [dreg:$0x11];
	[sflag:s11] =	ssyncadd.s32 $0xFFFFD800  }
0x77: {  	[spmem:s2] =	stream.indirect.scatter.add.f32 [tilespmem:s30], [sflag:$0x4], $0x80, s28, s29, $0xb8;
	[tilespmem:$0x1FB00] =	vst v63  }
.LBB2_4:
0x78: {  	p0 =	seq.s32 s18, $0x4CE  }
.Ltmp3:
0x79: {  	_ = 	snop;
	(pc) =	sbr.rel @p0 .LBB2_8-.Ltmp3, $1  }
0x7a: {  	_ =	sdelay $0x3  }
0x7b: {  	_ =	swait.ge [sflag:s13], $0x2800  }
0x7c: {  	s9 =	sshrl.u32 s24, $0x3;
	[sflag:s13] =	ssyncset.done $0x0  }
0x7d: {  	s15 =	sadd.s32 s6, s9;
	[sflag:s13] =	ssyncadd.s32 $0xFFFFD800  }
0x7e: {  	[tilespmem:s28], [sflag:$0x7] =	stream.linear.gather [hbm4b:s15+s4], $0x50, $0x38;
	[tilespmem:$0x1FB00] =	vst v63  }
0x7f: {  	_ =	swait.ge [sflag:s26], $0x50  }
0x80: {  	[sflag:s26] =	ssyncset.done $0x0  }
0x81: {  	s9 =	sadd.s32 s1, s9;
	[sflag:s26] =	ssyncadd.s32 $0xFFFFFFB0  }
0x82: {  	[tilespmem:s4], [sflag:$0x7] =	stream.linear.gather [hbm4b:s9+s4], $0x50, $0x38;
	[tilespmem:$0x1FB00] =	vst v63  }
0x83: {  	_ =	swait.ge [sflag:s26], $0x50  }
0x84: {  	[sflag:s26] =	ssyncset.done $0x0  }
0x85: {  	[sflag:s26] =	ssyncadd.s32 $0xFFFFFFB0  }
0x86: {  	[tilespmem:s30], [sflag:$0x1] =	stream.indirect.gather [hbm4b:s5+s29], $0x80, s4, s29, $0xb8;
	[tilespmem:$0x1FB00] =	vst v63  }
0x87: {  	_ =	swait.ge [sflag:s12], $0x2800  }
0x88: {  	[sflag:s12] =	ssyncset.done $0x0  }
0x89: {  	[sflag:s12] =	ssyncadd.s32 $0xFFFFD800  }
0x8a: {  	[spmem:s2] =	stream.indirect.scatter.add.f32 [tilespmem:s3], [sflag:$0x5], $0x80, s31, s29, $0xb8;
	[tilespmem:$0x1FB00] =	vst v63  }
0x8b: {  	_ =	swait.ge [sflag:s14], $0x2800  }
0x8c: {  	[sflag:s14] =	ssyncset.done $0x0  }
0x8d: {  	s15 =	sadd.s32 s18, s21;
	[sflag:s14] =	ssyncadd.s32 $0xFFFFD800  }
0x8e: {  	[tilespmem:s31], [sflag:$0x7] =	stream.linear.gather [hbm4b:s15+s4], $0x50, $0x38;
	[tilespmem:$0x1FB00] =	vst v63  }
0x8f: {  	_ =	swait.ge [sflag:s26], $0x50  }
0x90: {  	[sflag:s26] =	ssyncset.done $0x0  }
0x91: {  	s25 =	sadd.s32 s18, s20;
	[sflag:s26] =	ssyncadd.s32 $0xFFFFFFB0  }
0x92: {  	[tilespmem:s0], [sflag:$0x7] =	stream.linear.gather [hbm4b:s25+s4], $0x50, $0x38;
	[tilespmem:$0x1FB00] =	vst v63  }
0x93: {  	_ =	swait.ge [sflag:s26], $0x50  }
0x94: {  	[sflag:s26] =	ssyncset.done $0x0  }
0x95: {  	[sflag:s26] =	ssyncadd.s32 $0xFFFFFFB0  }
0x96: {  	[tilespmem:s3], [sflag:$0x2] =	stream.indirect.gather [hbm4b:s5+s29], $0x80, s0, s29, $0xb8;
	[tilespmem:$0x1FB00] =	vst v63  }
0x97: {  	_ =	swait.ge [sflag:s16], $0x2800  }
0x98: {  	p0 =	sgt.u32 s19, $0x27;
	[sflag:s16] =	ssyncset.done $0x0  }
0x99: {  	s9 =	simm.s32 @!p0 $0x6;
	[sflag:s16] =	ssyncadd.s32 $0xFFFFD800  }
0x9a: {  	[spmem:s2] =	stream.indirect.scatter.add.f32 [tilespmem:s10], [sflag:$0x6], $0x80, s8, s29, $0xb8;
	[tilespmem:$0x1FB00] =	vst v63  }
0x9b: {  	_ =	swait.ge @!p0 [sflag:s9], $0x2800  }
0x9c: {  	s7 =	simm.s32 @!p0 $0x280;
	[sflag:s9] =	ssyncset.done @!p0 $0x0  }
0x9d: {  	s15 =	simm.s32 @!p0 $0x0;
	[sflag:s9] =	ssyncadd.s32 @!p0 $0xFFFFD800;
	s9 =	sadd.s32 @!p0 s18, s23  }
0x9e: {  	[tilespmem:s7], [sflag:$0x7] =	stream.linear.gather @!p0 [hbm4b:s9+s15], $0x50, $0x38;
	[tilespmem:$0x1FB00] =	vst v63  }
0x9f: {  	s7 =	simm.s32 @!p0 $0x7  }
0xa0: {  	_ =	swait.ge @!p0 [sflag:s7], $0x50  }
0xa1: {  	[sflag:s7] =	ssyncset.done @!p0 $0x0  }
0xa2: {  	s25 =	simm.s32 @!p0 $0x100;
	s9 =	sadd.s32 @!p0 s18, s22;
	[sflag:s7] =	ssyncadd.s32 @!p0 $0xFFFFFFB0  }
0xa3: {  	[tilespmem:s25], [sflag:$0x7] =	stream.linear.gather @!p0 [hbm4b:s9+s15], $0x50, $0x38;
	[tilespmem:$0x1FB00] =	vst v63  }
0xa4: {  	_ =	swait.ge @!p0 [sflag:s7], $0x50  }
0xa5: {  	s18 =	sadd.s32 $0x1E, s18;
	[sflag:s7] =	ssyncset.done @!p0 $0x0  }
0xa6: {  	s9 =	simm.s32 @!p0 $0x5300;
	[sflag:s7] =	ssyncadd.s32 @!p0 $0xFFFFFFB0;
	s7 =	simm.s32 @!p0 $0x50  }
0xa7: {  	[tilespmem:s9], [sflag:$0x3] =	stream.indirect.gather @!p0 [hbm4b:s5+s7], $0x80, s25, s7, $0xb8;
	[tilespmem:$0x1FB00] =	vst v63  }
0xa8: {  	p0 =	sne.s32 s18, $0x4EC  }
.Ltmp4:
0xa9: {  	_ = 	snop;
	(pc) =	sbr.rel @p0 .LBB2_4-.Ltmp4, $4  }
.Ltmp5:
0xaa: {  	_ =	swait.ge [sflag:s11], $0x2800;
	(pc) =	sbr.rel @!p0 .LBB2_6-.Ltmp5, $4  }
0xab: {  	[sflag:s11] =	ssyncset.done $0x0  }
0xac: {  	s19 =	sadd.s32 $0x1, s19;
	s24 =	sadd.s32 $0xF0, s24;
	[sflag:s11] =	ssyncadd.s32 $0xFFFFD800  }
0xad: {  	[spmem:s2] =	stream.indirect.scatter.add.f32 [tilespmem:s30], [sflag:$0x4], $0x80, s28, s29, $0xb8;
	[tilespmem:$0x1FB00] =	vst v63  }
0xae: {  	_ = 	snop  }
.LBB2_7:
0xaf: {  	_ =	sfence.sel $0x180000  }
0xb0: {  	[bflag:$0x0] =	sbarrier.arrive $0xFFFF  }
0xb1: {  	_ =	strace $0x9000004A  }
0xb2: {  	s0 =	stileid.u32;
	[bflag:$0x2] =	sbarrier.arrive $0xFFFF  }
0xb3: {  	p0 =	sne.s32 s0, $0x0;
	s0 =	rddreg [dreg:$0x3]  }
0xb4: {  	s0 =	sadd.s32 @!p0 $0x100000, s0  }
0xb5: {  	[sflag:s0] =	ssyncadd.tile.s32 @!p0 $0x1;
	_ =	shalt  }
.Lfunc_end2:
_tile_overlayer_lowered:
.L_overlay_start_2:
0xb6: {  	(tag) =	ssettag $0x2  }
0xb7: {  	s0 =	rddreg [dreg:$0x0];
	s2 =	stileid.u32  }
0xb8: {  	s1 =	rddreg [dreg:$0x1];
	p0 =	sne.s32 s2, $0x0  }
0xb9: {  	s3 =	rddreg [dreg:$0x2];
	[bflag:$0x3] =	sbarrier.arrive $0xFFFF;
	s2 =	simm.s32 @!p0 $0x1C07  }
0xba: {  	[timem:s3], [sflag:s2] =	dma.local @!p0 [hbm:s0], s1  }
0xbb: {  	s0 =	simm.s32 @!p0 $0x7  }
0xbc: {  	_ =	swait.ge @!p0 [sflag:s0], s1  }
0xbd: {  	s1 =	ssub.s32 @!p0 $0x0, s1;
	[sflag:s0] =	ssyncset.done @!p0 $0x0  }
0xbe: {  	[sflag:s0] =	ssyncadd.s32 @!p0 s1  }
0xbf: {  	[bflag:$0x3] =	sbarrier.arrive $0xFFFF  }
0xc0: {  	_ =	shalt  }

// kernel: kernel.14.cloned.1.call-start
scs
__scs_entry_jumppad:
0x0: {  	(pc) =	sbr.rel $0x88, $3  }
0x1: {  	(tag) =	ssettag $0x0;
	lr =	simm.s32 $0x1  }
0x2: {  	[smem:$0x3F9B] =	sst lr;
	_ =	strace $0xD0000000  }
0x3: {  	_ = 	snop  }
0x4: {  	_ = 	snop  }
0x5: {  	_ = 	snop  }
0x6: {  	_ = 	snop  }
0x7: {  	_ = 	snop  }
__scs_overlays_trampoline_lowered:
0x8: {  	[smem:$0x3FAA] =	sst s0  }
0x9: {  	[smem:$0x3FAB] =	sst s1  }
0xa: {  	[smem:$0x3FAC] =	sst s2  }
0xb: {  	[smem:$0x3FAD] =	sst s3  }
0xc: {  	[smem:$0x3FAE] =	sst s4  }
0xd: {  	[smem:$0x3FAF] =	sst s5  }
0xe: {  	[smem:$0x3FB0] =	sst s6  }
0xf: {  	[smem:$0x3FB1] =	sst s7  }
0x10: {  	[smem:$0x3FB2] =	sst s8  }
0x11: {  	[smem:$0x3FB3] =	sst s9;
	s0 =	simm.s32 @!p0 $0x0  }
0x12: {  	s1 =	sld [smem:$0x3F99];
	s0 =	simm.s32 @p0 $0x1  }
0x13: {  	[smem:$0x3FB4] =	sst s0;
	s0 =	simm.s32 @!p1 $0x0  }
0x14: {  	s2 =	sld [smem:$0x3F98];
	s0 =	simm.s32 @p1 $0x1  }
0x15: {  	[smem:$0x3FB5] =	sst s0;
	s0 =	simm.s32 @!p2 $0x0  }
0x16: {  	s3 =	sld [smem:$0x3FDB];
	s0 =	simm.s32 @p2 $0x1  }
0x17: {  	s4 =	simm.s32 $0x1BF5;
	[smem:$0x3FB7] =	sst s0  }
0x18: {  	s0 =	sld [smem:$0x3F9A];
	_ =	swait.ge [sflag:s4], $0x0  }
0x19: {  	s7 =	sld [smem:$0x3F9B]  }
0x1a: {  	s8 =	sadd.s32 $0xFFFFE003, lr  }
0x1b: {  	s9 =	sadd.s32 $0xFFFFFEF7, lr;
	s5 =	simm.s32 $0xFFFFFFFF;
	p2 =	slt.u32 s8, $0xFFFFF086  }
0x1c: {  	p1 =	slt.u32 s9, $0xF7A;
	s5 =	simm.s32 @!p2 $0x0  }
0x1d: {  	s5 =	simm.s32 @p1 $0x1;
	p0 =	seq.s32 s7, s2  }
0x1e: {  	s7 =	smul.u32 @!p0 $0xF7A, s2;
	p2 =	seq.s32 @!p0 s5, $0x0  }
0x1f: {  	s9 =	smul.u32 $0xF7A, s1;
	s8 =	simm.s32 @!p0 $0x1BF5;
	p2 =	por !p2, p0  }
0x20: {  	[sflag:s8] =	ssyncset.s32 @!p0 $0xFFFFF086;
	s6 =	sadd.s32 @!p0 s3, s7;
	s7 =	simm.s32 @!p0 $0x108  }
0x21: {  	s3 =	sadd.s32 s3, s9;
	s6 =	sadd.s32 @!p0 $0x88, s6;
	s7 =	simm.s32 @p2 $0x1082  }
0x22: {  	[simem:s7], [sflag:s8] =	dma.local @!p0 [hbm:s6], $0xF7A  }
0x23: {  	s9 =	sor.u32 $0xD0000000, s2;
	s6 =	simm.s32 $0x108;
	_ =	swait.ge @!p0 [sflag:s8], $0x0  }
0x24: {  	s3 =	sadd.s32 $0x88, s3;
	s6 =	simm.s32 @!p1 $0x1082;
	[sflag:s4] =	ssyncset.s32 $0xFFFFF086  }
0x25: {  	[simem:s6], [sflag:s4] =	dma.local [hbm:s3], $0xF7A  }
0x26: {  	[smem:$0x3F9B] =	sst s1;
	(tag) =	ssettag s2;
	_ =	strace s9  }
0x27: {  	s1 =	sld [smem:$0x3FAB]  }
0x28: {  	s2 =	sld [smem:$0x3FAC]  }
0x29: {  	s4 =	sld [smem:$0x3FAE]  }
0x2a: {  	p0 =	seq.s32 s5, $0x0;
	s5 =	sld [smem:$0x3FAF]  }
0x2b: {  	s6 =	sld [smem:$0x3FB0]  }
0x2c: {  	s7 =	sld [smem:$0x3FB1]  }
0x2d: {  	s3 =	simm.s32 $0x108;
	s8 =	sld [smem:$0x3FB2]  }
0x2e: {  	s3 =	simm.s32 @!p0 $0x1082;
	s9 =	sld [smem:$0x3FB3]  }
0x2f: {  	lr =	sadd.s32 s0, s3;
	s0 =	sld [smem:$0x3FAA]  }
0x30: {  	s3 =	sld [smem:$0x3FAD]  }
0x31: {  	[smem:$0x3FB6] =	sst s10  }
0x32: {  	s10 =	sld [smem:$0x3FB4];
	_ =	sdelay $0x3  }
0x33: {  	p0 =	seq.s32 s10, $0x1;
	s10 =	sld [smem:$0x3FB6];
	_ =	sdelay $0x3  }
0x34: {  	[smem:$0x3FB6] =	sst s10  }
0x35: {  	s10 =	sld [smem:$0x3FB5];
	_ =	sdelay $0x3  }
0x36: {  	p1 =	seq.s32 s10, $0x1;
	s10 =	sld [smem:$0x3FB6];
	_ =	sdelay $0x3  }
0x37: {  	[smem:$0x3FB6] =	sst s10  }
0x38: {  	s10 =	sld [smem:$0x3FB7]  }
0x39: {  	_ = 	snop;
	(pc) =	sbr.ind lr, $3  }
0x3a: {  	_ = 	snop  }
0x3b: {  	_ = 	snop  }
0x3c: {  	p2 =	seq.s32 s10, $0x1;
	s10 =	sld [smem:$0x3FB6]  }
0x3d: {  	_ =	shalt  }
0x3e: {  	_ =	shalt  }
0x3f: {  	_ =	shalt  }
0x40: {  	_ =	shalt  }
0x41: {  	_ =	shalt  }
0x42: {  	_ =	shalt  }
0x43: {  	_ =	shalt  }
0x44: {  	_ =	shalt  }
0x45: {  	_ =	shalt  }
0x46: {  	_ =	shalt  }
0x47: {  	_ =	shalt  }
0x48: {  	_ =	shalt  }
0x49: {  	_ =	shalt  }
0x4a: {  	_ =	shalt  }
0x4b: {  	_ =	shalt  }
0x4c: {  	_ =	shalt  }
0x4d: {  	_ =	shalt  }
0x4e: {  	_ =	shalt  }
0x4f: {  	_ =	shalt  }
0x50: {  	_ =	shalt  }
0x51: {  	_ =	shalt  }
0x52: {  	_ =	shalt  }
0x53: {  	_ =	shalt  }
0x54: {  	_ =	shalt  }
0x55: {  	_ =	shalt  }
0x56: {  	_ =	shalt  }
0x57: {  	_ =	shalt  }
0x58: {  	_ =	shalt  }
0x59: {  	_ =	shalt  }
0x5a: {  	_ =	shalt  }
0x5b: {  	_ =	shalt  }
0x5c: {  	_ =	shalt  }
0x5d: {  	_ =	shalt  }
0x5e: {  	_ =	shalt  }
0x5f: {  	_ =	shalt  }
0x60: {  	_ =	shalt  }
0x61: {  	_ =	shalt  }
0x62: {  	_ =	shalt  }
0x63: {  	_ =	shalt  }
0x64: {  	_ =	shalt  }
0x65: {  	_ =	shalt  }
0x66: {  	_ =	shalt  }
0x67: {  	_ =	shalt  }
0x68: {  	_ =	shalt  }
0x69: {  	_ =	shalt  }
0x6a: {  	_ =	shalt  }
0x6b: {  	_ =	shalt  }
0x6c: {  	_ =	shalt  }
0x6d: {  	_ =	shalt  }
0x6e: {  	_ =	shalt  }
0x6f: {  	_ =	shalt  }
0x70: {  	_ =	shalt  }
0x71: {  	_ =	shalt  }
0x72: {  	_ =	shalt  }
0x73: {  	_ =	shalt  }
0x74: {  	_ =	shalt  }
0x75: {  	_ =	shalt  }
0x76: {  	_ =	shalt  }
0x77: {  	_ =	shalt  }
0x78: {  	_ =	shalt  }
0x79: {  	_ =	shalt  }
0x7a: {  	_ =	shalt  }
0x7b: {  	_ =	shalt  }
0x7c: {  	_ =	shalt  }
0x7d: {  	_ =	shalt  }
0x7e: {  	_ =	shalt  }
0x7f: {  	_ =	shalt  }
0x80: {  	_ =	shalt  }
0x81: {  	_ =	shalt  }
0x82: {  	_ =	shalt  }
0x83: {  	_ =	shalt  }
0x84: {  	_ =	shalt  }
0x85: {  	_ =	shalt  }
0x86: {  	_ =	shalt  }
0x87: {  	_ =	shalt  }
.Lfunc_end0:
.L_simem_size_0:
called_computation.2_lowered:
.L_overlay_start_0:
0x88: {  	s2 =	sld [smem:$0x3FD9]  }
0x89: {  	s3 =	sld [smem:$0x3FFE];
	_ =	sdelay $0x1  }
0x8a: {  	s1 =	srdreg.scid  }
0x8b: {  	s0 =	sand.u32 $0x1, s1  }
0x8c: {  	s17 =	sshll.u32 s0, $0xA;
	s2 =	sadd.s32 s3, s2  }
0x8d: {  	s2 =	sadd.s32 s2, s17  }
0x8e: {  	[smem:$0x3FC2] =	sst s2  }
0x8f: {  	_ = 	snop  }
0x90: {  	s2 =	sld [smem:$0x3FD0];
	(tm) =	ssettm $0x1  }
0x91: {  	s18 =	sld [smem:$0x3FFB];
	_ =	sdelay $0x3  }
0x92: {  	_ =	strace s18  }
0x93: {  	s3 =	sld [smem:$0x3FFC];
	_ =	sdelay $0x3  }
0x94: {  	_ =	strace s3  }
0x95: {  	s3 =	sld [smem:$0x3FFD];
	_ =	sdelay $0x3  }
0x96: {  	_ =	strace s3  }
0x97: {  	_ =	strace $0x8FFFFFFF  }
0x98: {  	s19 =	sld [smem:$0x3FDB];
	_ =	sdelay $0x1  }
0x99: {  	s4 =	simm.s32 $_scs_section_size  }
0x9a: {  	s5 =	simm.s32 $_size__tile_overlayer_lowered;
	s6 =	simm.s32 $_tile_overlayer_lowered  }
0x9b: {  	s22 =	simm.s32 $0x1BFF;
	s21 =	sshll.u32 s6, $0x1;
	s3 =	sadd.s32 s4, s19  }
0x9c: {  	s7 =	simm.s32 $0x0;
	s20 =	sshll.u32 s5, $0x1;
	s5 =	sadd.s32 s21, s3  }
0x9d: {  	[timem:s7], [sflag:s22] =	dma.local [hbm:s5], s20  }
0x9e: {  	_ =	swait.ge [sflag:s22], s20  }
0x9f: {  	s4 =	ssub.s32 $0x0, s20;
	[sflag:s22] =	ssyncset.done $0x0  }
0xa0: {  	[sflag:s22] =	ssyncadd.s32 s4;
	_ =	sdelay $0x1  }
0xa1: {  	s23 =	simm.s32 $0x1B8B  }
0xa2: {  	_ =	swait.ge [sflag:s23], $0x1  }
0xa3: {  	[sflag:s23] =	ssyncset.done $0x0  }
0xa4: {  	s25 =	simm.s32 $0x1B8E;
	s24 =	sld [smem:$0x3FFE];
	[sflag:s23] =	ssyncadd.s32 $0xFFFFFFFF  }
0xa5: {  	s26 =	simm.s32 $execute0_lowered;
	[smem:$0x3FD2] =	sst s25  }
0xa6: {  	s5 =	sshll.u32 s26, $0x1;
	_ =	strace $0x8000004C;
	[dreg:$0x1] =	wrdreg $0xFFFFFFFF  }
0xa7: {  	s28 =	simm.s32 $_size_execute0_lowered;
	s3 =	sadd.s32 s3, s5;
	[dreg:$0x0] =	wrdreg $0x0  }
0xa8: {  	s5 =	sshll.u32 s28, $0x1;
	[dreg:$0x2] =	wrdreg s3  }
0xa9: {  	[dreg:$0x3] =	wrdreg s5  }
0xaa: {  	[dreg:$0x4] =	wrdreg $0xC0  }
0xab: {  	_ =	task [dreg:s7], $0x5FFFF  }
0xac: {  	[dreg:$0x1] =	wrdreg $0xFFFFFFFF  }
0xad: {  	[dreg:$0x0] =	wrdreg $0x60  }
0xae: {  	[dreg:$0x2] =	wrdreg s24  }
0xaf: {  	[dreg:$0x3] =	wrdreg s2  }
0xb0: {  	[dreg:$0x4] =	wrdreg $0xBB000  }
0xb1: {  	[dreg:$0x5] =	wrdreg $0x9  }
0xb2: {  	_ =	task.clear_ibuf [dreg:s7], $0x6FFFF;
	_ =	strace $0x9000004C  }
0xb3: {  	s29 =	simm.s32 $0x9;
	_ =	strace $0x8000004E  }
0xb4: {  	_ =	swait.ge [sflag:s29], $0x1  }
0xb5: {  	[sflag:s29] =	ssyncadd.s32 $0xFFFFFFFF  }
0xb6: {  	_ =	strace $0x9000004E  }
0xb7: {  	_ =	sfence  }
0xb8: {  	s30 =	sld [smem:$0x0];
	_ =	sdelay $0x2  }
0xb9: {  	s31 =	sshll.u32 s1, $0xD;
	s1 =	sshrl.u32 s1, $0x2  }
0xba: {  	s3 =	sand.u32 $0x4000, s31;
	s1 =	sadd.s32 s1, s30  }
0xbb: {  	s0 =	sor.u32 s3, s0;
	s1 =	sshll.u32 s1, $0x11  }
0xbc: {  	s0 =	sor.u32 s1, s0  }
0xbd: {  	s0 =	sadd.s32 $0x8F2B, s0  }
0xbe: {  	[sflag:s0] =	ssyncadd.remote.s32 $0x1  }
0xbf: {  	_ =	sfence.sel $0xFFFF  }
0xc0: {  	[dreg:$0x0] =	wrdreg $0xFFFFFFFF;
	(pc) =	sbr.abs _section_cstart, $3  }
0xc1: {  	[dreg:$0x1] =	wrdreg $0xFFFFFFFF  }
0xc2: {  	_ =	task.clear_ibuf [dreg:s7], $0x2FFFF;
	_ =	strace $0x9FFFFFFF  }
0xc3: {  	(tm) =	ssettm $0x7FFFFFFF  }
tec
execute0_lowered:
.L_overlay_start_1:
0x0: {  	(tag) =	ssettag $0x1  }
0x1: {  	s0 =	rddreg [dreg:$0x0]  }
0x2: {  	s1 =	rddreg [dreg:$0x1]  }
0x3: {  	s2 =	rddreg [dreg:$0x2];
	s3 =	srdreg.scid  }
0x4: {  	s4 =	simm.s32 $0x0;
	s11 =	stileid.u32;
	s28 =	simm.s32 $0x180  }
0x5: {  	s29 =	simm.s32 $0x50;
	s30 =	simm.s32 $0x300;
	s7 =	smul.u32 $0x14000, s11  }
0x6: {  	s31 =	simm.s32 $0x200;
	s3 =	sand.u32 $0x1, s3;
	s23 =	smul.u32 $0x50000, s11  }
0x7: {  	[smem:$0x7FF] =	sst s4;
	s8 =	sshll.u32 s11, $0x1;
	s11 =	smul.u32 $0x4E20, s11  }
0x8: {  	s5 =	sadd.s32 $0xC200, s0;
	s6 =	smul.u32 $0x140000, s3;
	_ =	strace $0x8000004D  }
0x9: {  	s22 =	sor.u32 s3, s8;
	s10 =	ssub.s32 $0x2, s3;
	s3 =	smul.u32 $0x2710, s3  }
0xa: {  	s24 =	sshrl.u32 s10, $0x1;
	s8 =	sshrl.u32 s23, $0x2;
	s6 =	sadd.s32 s7, s6  }
0xb: {  	s7 =	smul.u32 $0x2710, s22;
	s26 =	sadd.s32 s8, s2;
	s19 =	sadd.s32 s3, s11  }
0xc: {  	s11 =	simm.s32 $0x1;
	s9 =	sshrl.u32 s6, $0x3;
	s6 =	sadd.s32 $0x2400, s0  }
0xd: {  	s18 =	sadd.s32 $0x4000, s26;
	s22 =	sadd.s32 $0x8000, s26;
	[dreg:$0x4] =	wrdreg s26  }
0xe: {  	s23 =	sadd.s32 $0xC000, s26;
	s0 =	sadd.s32 s9, s0;
	[dreg:$0xd] =	wrdreg s18  }
0xf: {  	s9 =	ssub.s32 s10, s24;
	s25 =	sshrl.u32 s7, $0x3;
	[dreg:$0xe] =	wrdreg s22  }
0x10: {  	[dreg:$0xf] =	wrdreg s23;
	s24 =	sadd.s32 $0x140, s19;
	s7 =	sadd.s32 $0x10000, s26  }
0x11: {  	s13 =	sadd.s32 s6, s25;
	s14 =	sadd.s32 $0xA, s25;
	s12 =	sadd.s32 s1, s25  }
0x12: {  	s16 =	sadd.s32 $0x14, s25;
	s0 =	sadd.s32 $0x33400, s0;
	[dreg:$0x10] =	wrdreg s7  }
0x13: {  	s17 =	smax.u32 s9, $0x1;
	s3 =	sshrl.u32 s24, $0x3;
	[dreg:$0x5] =	wrdreg s13  }
0x14: {  	s25 =	sadd.s32 $0x190, s19;
	[dreg:$0x6] =	wrdreg s12;
	s15 =	sadd.s32 s6, s14  }
0x15: {  	s8 =	sadd.s32 s1, s14;
	s10 =	sadd.s32 s6, s16;
	[dreg:$0xb] =	wrdreg s0  }
0x16: {  	[dreg:$0xc] =	wrdreg s17;
	s20 =	sadd.s32 s3, s1;
	s21 =	sadd.s32 s3, s6  }
0x17: {  	s26 =	sshrl.u32 s25, $0x3;
	s0 =	sadd.s32 $0xF0, s19;
	s3 =	simm.s32 $0x2B00  }
0x18: {  	s12 =	simm.s32 $0x2;
	s13 =	simm.s32 $0x4;
	[dreg:$0x7] =	wrdreg s15  }
.Ltmp0:
0x19: {  	s14 =	simm.s32 $0x5;
	[dreg:$0x8] =	wrdreg s8;
	(pc) =	sbr.rel .LBB2_1-.Ltmp0, $4  }
0x1a: {  	s17 =	simm.s32 $0x0;
	[dreg:$0x9] =	wrdreg s10;
	s8 =	sadd.s32 s1, s16  }
0x1b: {  	s22 =	sadd.s32 s26, s1;
	s23 =	sadd.s32 s26, s6;
	[dreg:$0x11] =	wrdreg s0  }
0x1c: {  	s26 =	simm.s32 $0x7;
	s0 =	simm.s32 $0x80;
	s10 =	simm.s32 $0x5300  }
0x1d: {  	v0 =	vimm.f32 $0.0e+00;
	s16 =	simm.s32 $0x3;
	[dreg:$0xa] =	wrdreg s8;
	s8 =	simm.s32 $0x280  }
.LBB2_8:
0x1e: {  	_ =	swait.ge [sflag:s12], $0x2800  }
0x1f: {  	[sflag:s12] =	ssyncset.done $0x0  }
0x20: {  	[sflag:s12] =	ssyncadd.s32 $0xFFFFD800  }
0x21: {  	[spmem:s2] =	stream.indirect.scatter.add.f32 [tilespmem:s3], [sflag:$0x5], $0x80, s31, s29, $0xb8;
	[tilespmem:$0x1FB00] =	vst v63  }
.LBB2_6:
0x22: {  	_ =	swait.ge [sflag:s13], $0x2800  }
0x23: {  	[sflag:s13] =	ssyncset.done $0x0  }
0x24: {  	[sflag:s13] =	ssyncadd.s32 $0xFFFFD800  }
0x25: {  	_ =	swait.ge [sflag:s14], $0x2800  }
0x26: {  	[sflag:s14] =	ssyncset.done $0x0  }
0x27: {  	s7 =	simm.s32 $0x6;
	[sflag:s14] =	ssyncadd.s32 $0xFFFFD800  }
0x28: {  	_ =	swait.ge [sflag:s7], $0x2800  }
0x29: {  	[sflag:s7] =	ssyncset.done $0x0  }
0x2a: {  	[sflag:s7] =	ssyncadd.s32 $0xFFFFD800  }
0x2b: {  	s24 =	stileid.u32;
	[bflag:$0x0] =	sbarrier.arrive $0xFFFF  }
0x2c: {  	s7 =	sshll.u32 s24, $0x6;
	s9 =	rddreg [dreg:$0x4]  }
0x2d: {  	s7 =	sor.u32 $0x1C07, s7;
	s15 =	rddreg [dreg:$0xb];
	s9 =	sshrl.u32 s9, $0x3  }
0x2e: {  	[hbm:s15], [sflag:s7] =	dma.local [spmem:s9], $0x2800  }
0x2f: {  	_ =	swait.ge [sflag:s26], $0x2800  }
0x30: {  	s17 =	sadd.s32 $0x1, s17;
	s25 =	rddreg [dreg:$0xc]  }
0x31: {  	p0 =	sne.s32 s17, s25  }
.Ltmp1:
0x32: {  	_ = 	snop;
	(pc) =	sbr.rel @!p0 .LBB2_7-.Ltmp1, $3  }
0x33: {  	_ =	sdelay $0x1  }
0x34: {  	[sflag:s26] =	ssyncset.done $0x0  }
0x35: {  	[sflag:s26] =	ssyncadd.s32 $0xFFFFD800  }
.LBB2_1:
0x36: {  	s18 =	sand.u32 $0xFE00, s4  }
0x37: {  	s19 =	sand.u32 $0x70, s4;
	s24 =	sshrl.u32 s18, $0x2  }
0x38: {  	s18 =	simm.s32 $0x40;
	s24 =	sor.u32 s19, s24;
	s19 =	simm.s32 $0x0  }
.LBB2_2:
0x39: {  	p0 =	sne.s32 s18, $0xFFC0  }
0x3a: {  	[tilespmem:s24+$0x7B00] =	vst v0;
	s19 =	sadd.s32 $0x10, s19;
	s24 =	smov.u32 s18;
	s18 =	sadd.s32 $0x40, s18  }
.Ltmp2:
0x3b: {  	(pc) =	sbr.rel @p0 .LBB2_2-.Ltmp2, $4  }
0x3c: {  	_ = 	snop  }
0x3d: {  	s24 =	sand.u32 $0xFE00, s24  }
0x3e: {  	s9 =	sand.u32 $0x70, s19;
	s24 =	sshrl.u32 s24, $0x2  }
0x3f: {  	s24 =	sor.u32 s9, s24  }
0x40: {  	[tilespmem:s24+$0x7B00] =	vst v0;
	s7 =	rddreg [dreg:$0x4];
	s9 =	simm.s32 $0x7B00  }
0x41: {  	[spmem:s7] =	stream.linear.scatter [tilespmem:s9], [sflag:$0x7], $0x4000, $0x38;
	[tilespmem:$0x1FB00] =	vst v63  }
0x42: {  	_ =	swait.ge [sflag:s26], $0x4000  }
0x43: {  	[sflag:s26] =	ssyncset.done $0x0  }
0x44: {  	s25 =	rddreg [dreg:$0xd];
	[sflag:s26] =	ssyncadd.s32 $0xFFFFC000  }
0x45: {  	[spmem:s25] =	stream.linear.scatter [tilespmem:s9], [sflag:$0x7], $0x4000, $0x38;
	[tilespmem:$0x1FB00] =	vst v63  }
0x46: {  	_ =	swait.ge [sflag:s26], $0x4000  }
0x47: {  	[sflag:s26] =	ssyncset.done $0x0  }
0x48: {  	s15 =	rddreg [dreg:$0xe];
	[sflag:s26] =	ssyncadd.s32 $0xFFFFC000  }
0x49: {  	[spmem:s15] =	stream.linear.scatter [tilespmem:s9], [sflag:$0x7], $0x4000, $0x38;
	[tilespmem:$0x1FB00] =	vst v63  }
0x4a: {  	_ =	swait.ge [sflag:s26], $0x4000  }
0x4b: {  	[sflag:s26] =	ssyncset.done $0x0  }
0x4c: {  	s18 =	rddreg [dreg:$0xf];
	[sflag:s26] =	ssyncadd.s32 $0xFFFFC000  }
0x4d: {  	[spmem:s18] =	stream.linear.scatter [tilespmem:s9], [sflag:$0x7], $0x4000, $0x38;
	[tilespmem:$0x1FB00] =	vst v63  }
0x4e: {  	_ =	swait.ge [sflag:s26], $0x4000  }
0x4f: {  	[sflag:s26] =	ssyncset.done $0x0  }
0x50: {  	s19 =	rddreg [dreg:$0x10];
	[sflag:s26] =	ssyncadd.s32 $0xFFFFC000  }
0x51: {  	[spmem:s19] =	stream.linear.scatter [tilespmem:s9], [sflag:$0x7], $0x4000, $0x38;
	[tilespmem:$0x1FB00] =	vst v63  }
0x52: {  	_ =	swait.ge [sflag:s26], $0x4000  }
0x53: {  	[sflag:s26] =	ssyncset.done $0x0  }
0x54: {  	[sflag:s26] =	ssyncadd.s32 $0xFFFFC000  }
0x55: {  	[bflag:$0x0] =	sbarrier.arrive $0xFFFF  }
0x56: {  	s18 =	simm.s32 $0x0;
	s24 =	rddreg [dreg:$0x5]  }
0x57: {  	[tilespmem:s28], [sflag:$0x7] =	stream.linear.gather [hbm4b:s24+s18], $0x50, $0x38;
	[tilespmem:$0x1FB00] =	vst v63  }
0x58: {  	_ =	swait.ge [sflag:s26], $0x50  }
0x59: {  	[sflag:s26] =	ssyncset.done $0x0  }
0x5a: {  	s25 =	rddreg [dreg:$0x6];
	[sflag:s26] =	ssyncadd.s32 $0xFFFFFFB0  }
0x5b: {  	[tilespmem:s18], [sflag:$0x7] =	stream.linear.gather [hbm4b:s25+s18], $0x50, $0x38;
	[tilespmem:$0x1FB00] =	vst v63  }
0x5c: {  	_ =	swait.ge [sflag:s26], $0x50  }
0x5d: {  	[sflag:s26] =	ssyncset.done $0x0  }
0x5e: {  	[sflag:s26] =	ssyncadd.s32 $0xFFFFFFB0  }
0x5f: {  	[tilespmem:s30], [sflag:$0x1] =	stream.indirect.gather [hbm4b:s5+s29], $0x80, s18, s29, $0xb8;
	[tilespmem:$0x1FB00] =	vst v63  }
0x60: {  	s9 =	rddreg [dreg:$0x7]  }
0x61: {  	[tilespmem:s31], [sflag:$0x7] =	stream.linear.gather [hbm4b:s9+s18], $0x50, $0x38;
	[tilespmem:$0x1FB00] =	vst v63  }
0x62: {  	_ =	swait.ge [sflag:s26], $0x50  }
0x63: {  	[sflag:s26] =	ssyncset.done $0x0  }
0x64: {  	s15 =	rddreg [dreg:$0x8];
	[sflag:s26] =	ssyncadd.s32 $0xFFFFFFB0  }
0x65: {  	[tilespmem:s0], [sflag:$0x7] =	stream.linear.gather [hbm4b:s15+s18], $0x50, $0x38;
	[tilespmem:$0x1FB00] =	vst v63  }
0x66: {  	_ =	swait.ge [sflag:s26], $0x50  }
0x67: {  	[sflag:s26] =	ssyncset.done $0x0  }
0x68: {  	[sflag:s26] =	ssyncadd.s32 $0xFFFFFFB0  }
0x69: {  	[tilespmem:s3], [sflag:$0x2] =	stream.indirect.gather [hbm4b:s5+s29], $0x80, s0, s29, $0xb8;
	[tilespmem:$0x1FB00] =	vst v63  }
0x6a: {  	s19 =	rddreg [dreg:$0x9]  }
0x6b: {  	[tilespmem:s8], [sflag:$0x7] =	stream.linear.gather [hbm4b:s19+s18], $0x50, $0x38;
	[tilespmem:$0x1FB00] =	vst v63  }
0x6c: {  	_ =	swait.ge [sflag:s26], $0x50  }
0x6d: {  	[sflag:s26] =	ssyncset.done $0x0  }
0x6e: {  	s25 =	simm.s32 $0x100;
	s24 =	rddreg [dreg:$0xa];
	[sflag:s26] =	ssyncadd.s32 $0xFFFFFFB0  }
0x6f: {  	[tilespmem:s25], [sflag:$0x7] =	stream.linear.gather [hbm4b:s24+s18], $0x50, $0x38;
	[tilespmem:$0x1FB00] =	vst v63  }
0x70: {  	_ =	swait.ge [sflag:s26], $0x50  }
0x71: {  	[sflag:s26] =	ssyncset.done $0x0  }
0x72: {  	[sflag:s26] =	ssyncadd.s32 $0xFFFFFFB0  }
0x73: {  	[tilespmem:s10], [sflag:$0x3] =	stream.indirect.gather [hbm4b:s5+s29], $0x80, s25, s29, $0xb8;
	[tilespmem:$0x1FB00] =	vst v63  }
0x74: {  	_ =	swait.ge [sflag:s11], $0x2800  }
0x75: {  	[sflag:s11] =	ssyncset.done $0x0  }
0x76: {  	s19 =	simm.s32 $0x0;
	s24 =	rddreg [dreg:$0x11];
	[sflag:s11] =	ssyncadd.s32 $0xFFFFD800  }
0x77: {  	[spmem:s2] =	stream.indirect.scatter.add.f32 [tilespmem:s30], [sflag:$0x4], $0x80, s28, s29, $0xb8;
	[tilespmem:$0x1FB00] =	vst v63  }
.LBB2_4:
0x78: {  	p0 =	seq.s32 s18, $0x4CE  }
.Ltmp3:
0x79: {  	_ = 	snop;
	(pc) =	sbr.rel @p0 .LBB2_8-.Ltmp3, $1  }
0x7a: {  	_ =	sdelay $0x3  }
0x7b: {  	_ =	swait.ge [sflag:s13], $0x2800  }
0x7c: {  	s9 =	sshrl.u32 s24, $0x3;
	[sflag:s13] =	ssyncset.done $0x0  }
0x7d: {  	s15 =	sadd.s32 s6, s9;
	[sflag:s13] =	ssyncadd.s32 $0xFFFFD800  }
0x7e: {  	[tilespmem:s28], [sflag:$0x7] =	stream.linear.gather [hbm4b:s15+s4], $0x50, $0x38;
	[tilespmem:$0x1FB00] =	vst v63  }
0x7f: {  	_ =	swait.ge [sflag:s26], $0x50  }
0x80: {  	[sflag:s26] =	ssyncset.done $0x0  }
0x81: {  	s9 =	sadd.s32 s1, s9;
	[sflag:s26] =	ssyncadd.s32 $0xFFFFFFB0  }
0x82: {  	[tilespmem:s4], [sflag:$0x7] =	stream.linear.gather [hbm4b:s9+s4], $0x50, $0x38;
	[tilespmem:$0x1FB00] =	vst v63  }
0x83: {  	_ =	swait.ge [sflag:s26], $0x50  }
0x84: {  	[sflag:s26] =	ssyncset.done $0x0  }
0x85: {  	[sflag:s26] =	ssyncadd.s32 $0xFFFFFFB0  }
0x86: {  	[tilespmem:s30], [sflag:$0x1] =	stream.indirect.gather [hbm4b:s5+s29], $0x80, s4, s29, $0xb8;
	[tilespmem:$0x1FB00] =	vst v63  }
0x87: {  	_ =	swait.ge [sflag:s12], $0x2800  }
0x88: {  	[sflag:s12] =	ssyncset.done $0x0  }
0x89: {  	[sflag:s12] =	ssyncadd.s32 $0xFFFFD800  }
0x8a: {  	[spmem:s2] =	stream.indirect.scatter.add.f32 [tilespmem:s3], [sflag:$0x5], $0x80, s31, s29, $0xb8;
	[tilespmem:$0x1FB00] =	vst v63  }
0x8b: {  	_ =	swait.ge [sflag:s14], $0x2800  }
0x8c: {  	[sflag:s14] =	ssyncset.done $0x0  }
0x8d: {  	s15 =	sadd.s32 s18, s21;
	[sflag:s14] =	ssyncadd.s32 $0xFFFFD800  }
0x8e: {  	[tilespmem:s31], [sflag:$0x7] =	stream.linear.gather [hbm4b:s15+s4], $0x50, $0x38;
	[tilespmem:$0x1FB00] =	vst v63  }
0x8f: {  	_ =	swait.ge [sflag:s26], $0x50  }
0x90: {  	[sflag:s26] =	ssyncset.done $0x0  }
0x91: {  	s25 =	sadd.s32 s18, s20;
	[sflag:s26] =	ssyncadd.s32 $0xFFFFFFB0  }
0x92: {  	[tilespmem:s0], [sflag:$0x7] =	stream.linear.gather [hbm4b:s25+s4], $0x50, $0x38;
	[tilespmem:$0x1FB00] =	vst v63  }
0x93: {  	_ =	swait.ge [sflag:s26], $0x50  }
0x94: {  	[sflag:s26] =	ssyncset.done $0x0  }
0x95: {  	[sflag:s26] =	ssyncadd.s32 $0xFFFFFFB0  }
0x96: {  	[tilespmem:s3], [sflag:$0x2] =	stream.indirect.gather [hbm4b:s5+s29], $0x80, s0, s29, $0xb8;
	[tilespmem:$0x1FB00] =	vst v63  }
0x97: {  	_ =	swait.ge [sflag:s16], $0x2800  }
0x98: {  	p0 =	sgt.u32 s19, $0x27;
	[sflag:s16] =	ssyncset.done $0x0  }
0x99: {  	s9 =	simm.s32 @!p0 $0x6;
	[sflag:s16] =	ssyncadd.s32 $0xFFFFD800  }
0x9a: {  	[spmem:s2] =	stream.indirect.scatter.add.f32 [tilespmem:s10], [sflag:$0x6], $0x80, s8, s29, $0xb8;
	[tilespmem:$0x1FB00] =	vst v63  }
0x9b: {  	_ =	swait.ge @!p0 [sflag:s9], $0x2800  }
0x9c: {  	s7 =	simm.s32 @!p0 $0x280;
	[sflag:s9] =	ssyncset.done @!p0 $0x0  }
0x9d: {  	s15 =	simm.s32 @!p0 $0x0;
	[sflag:s9] =	ssyncadd.s32 @!p0 $0xFFFFD800;
	s9 =	sadd.s32 @!p0 s18, s23  }
0x9e: {  	[tilespmem:s7], [sflag:$0x7] =	stream.linear.gather @!p0 [hbm4b:s9+s15], $0x50, $0x38;
	[tilespmem:$0x1FB00] =	vst v63  }
0x9f: {  	s7 =	simm.s32 @!p0 $0x7  }
0xa0: {  	_ =	swait.ge @!p0 [sflag:s7], $0x50  }
0xa1: {  	[sflag:s7] =	ssyncset.done @!p0 $0x0  }
0xa2: {  	s25 =	simm.s32 @!p0 $0x100;
	s9 =	sadd.s32 @!p0 s18, s22;
	[sflag:s7] =	ssyncadd.s32 @!p0 $0xFFFFFFB0  }
0xa3: {  	[tilespmem:s25], [sflag:$0x7] =	stream.linear.gather @!p0 [hbm4b:s9+s15], $0x50, $0x38;
	[tilespmem:$0x1FB00] =	vst v63  }
0xa4: {  	_ =	swait.ge @!p0 [sflag:s7], $0x50  }
0xa5: {  	s18 =	sadd.s32 $0x1E, s18;
	[sflag:s7] =	ssyncset.done @!p0 $0x0  }
0xa6: {  	s9 =	simm.s32 @!p0 $0x5300;
	[sflag:s7] =	ssyncadd.s32 @!p0 $0xFFFFFFB0;
	s7 =	simm.s32 @!p0 $0x50  }
0xa7: {  	[tilespmem:s9], [sflag:$0x3] =	stream.indirect.gather @!p0 [hbm4b:s5+s7], $0x80, s25, s7, $0xb8;
	[tilespmem:$0x1FB00] =	vst v63  }
0xa8: {  	p0 =	sne.s32 s18, $0x4EC  }
.Ltmp4:
0xa9: {  	_ = 	snop;
	(pc) =	sbr.rel @p0 .LBB2_4-.Ltmp4, $4  }
.Ltmp5:
0xaa: {  	_ =	swait.ge [sflag:s11], $0x2800;
	(pc) =	sbr.rel @!p0 .LBB2_6-.Ltmp5, $4  }
0xab: {  	[sflag:s11] =	ssyncset.done $0x0  }
0xac: {  	s19 =	sadd.s32 $0x1, s19;
	s24 =	sadd.s32 $0xF0, s24;
	[sflag:s11] =	ssyncadd.s32 $0xFFFFD800  }
0xad: {  	[spmem:s2] =	stream.indirect.scatter.add.f32 [tilespmem:s30], [sflag:$0x4], $0x80, s28, s29, $0xb8;
	[tilespmem:$0x1FB00] =	vst v63  }
0xae: {  	_ = 	snop  }
.LBB2_7:
0xaf: {  	_ =	sfence.sel $0x180000  }
0xb0: {  	[bflag:$0x0] =	sbarrier.arrive $0xFFFF  }
0xb1: {  	_ =	strace $0x9000004D  }
0xb2: {  	s0 =	stileid.u32;
	[bflag:$0x2] =	sbarrier.arrive $0xFFFF  }
0xb3: {  	p0 =	sne.s32 s0, $0x0;
	s0 =	rddreg [dreg:$0x3]  }
0xb4: {  	s0 =	sadd.s32 @!p0 $0x100000, s0  }
0xb5: {  	[sflag:s0] =	ssyncadd.tile.s32 @!p0 $0x1;
	_ =	shalt  }
.Lfunc_end2:
_tile_overlayer_lowered:
.L_overlay_start_2:
0xb6: {  	(tag) =	ssettag $0x2  }
0xb7: {  	s0 =	rddreg [dreg:$0x0];
	s2 =	stileid.u32  }
0xb8: {  	s1 =	rddreg [dreg:$0x1];
	p0 =	sne.s32 s2, $0x0  }
0xb9: {  	s3 =	rddreg [dreg:$0x2];
	[bflag:$0x3] =	sbarrier.arrive $0xFFFF;
	s2 =	simm.s32 @!p0 $0x1C07  }
0xba: {  	[timem:s3], [sflag:s2] =	dma.local @!p0 [hbm:s0], s1  }
0xbb: {  	s0 =	simm.s32 @!p0 $0x7  }
0xbc: {  	_ =	swait.ge @!p0 [sflag:s0], s1  }
0xbd: {  	s1 =	ssub.s32 @!p0 $0x0, s1;
	[sflag:s0] =	ssyncset.done @!p0 $0x0  }
0xbe: {  	[sflag:s0] =	ssyncadd.s32 @!p0 s1  }
0xbf: {  	[bflag:$0x3] =	sbarrier.arrive $0xFFFF  }
0xc0: {  	_ =	shalt  }

// kernel: kernel.8.cloned.1.call-start
scs
__scs_entry_jumppad:
0x0: {  	(pc) =	sbr.rel $0x88, $3  }
0x1: {  	(tag) =	ssettag $0x0;
	lr =	simm.s32 $0x1  }
0x2: {  	[smem:$0x3F9B] =	sst lr;
	_ =	strace $0xD0000000  }
0x3: {  	_ = 	snop  }
0x4: {  	_ = 	snop  }
0x5: {  	_ = 	snop  }
0x6: {  	_ = 	snop  }
0x7: {  	_ = 	snop  }
__scs_overlays_trampoline_lowered:
0x8: {  	[smem:$0x3FAA] =	sst s0  }
0x9: {  	[smem:$0x3FAB] =	sst s1  }
0xa: {  	[smem:$0x3FAC] =	sst s2  }
0xb: {  	[smem:$0x3FAD] =	sst s3  }
0xc: {  	[smem:$0x3FAE] =	sst s4  }
0xd: {  	[smem:$0x3FAF] =	sst s5  }
0xe: {  	[smem:$0x3FB0] =	sst s6  }
0xf: {  	[smem:$0x3FB1] =	sst s7  }
0x10: {  	[smem:$0x3FB2] =	sst s8  }
0x11: {  	[smem:$0x3FB3] =	sst s9;
	s0 =	simm.s32 @!p0 $0x0  }
0x12: {  	s1 =	sld [smem:$0x3F99];
	s0 =	simm.s32 @p0 $0x1  }
0x13: {  	[smem:$0x3FB4] =	sst s0;
	s0 =	simm.s32 @!p1 $0x0  }
0x14: {  	s2 =	sld [smem:$0x3F98];
	s0 =	simm.s32 @p1 $0x1  }
0x15: {  	[smem:$0x3FB5] =	sst s0;
	s0 =	simm.s32 @!p2 $0x0  }
0x16: {  	s3 =	sld [smem:$0x3FDB];
	s0 =	simm.s32 @p2 $0x1  }
0x17: {  	s4 =	simm.s32 $0x1BF5;
	[smem:$0x3FB7] =	sst s0  }
0x18: {  	s0 =	sld [smem:$0x3F9A];
	_ =	swait.ge [sflag:s4], $0x0  }
0x19: {  	s7 =	sld [smem:$0x3F9B]  }
0x1a: {  	s8 =	sadd.s32 $0xFFFFE003, lr  }
0x1b: {  	s9 =	sadd.s32 $0xFFFFFEF7, lr;
	s5 =	simm.s32 $0xFFFFFFFF;
	p2 =	slt.u32 s8, $0xFFFFF086  }
0x1c: {  	p1 =	slt.u32 s9, $0xF7A;
	s5 =	simm.s32 @!p2 $0x0  }
0x1d: {  	s5 =	simm.s32 @p1 $0x1;
	p0 =	seq.s32 s7, s2  }
0x1e: {  	s7 =	smul.u32 @!p0 $0xF7A, s2;
	p2 =	seq.s32 @!p0 s5, $0x0  }
0x1f: {  	s9 =	smul.u32 $0xF7A, s1;
	s8 =	simm.s32 @!p0 $0x1BF5;
	p2 =	por !p2, p0  }
0x20: {  	[sflag:s8] =	ssyncset.s32 @!p0 $0xFFFFF086;
	s6 =	sadd.s32 @!p0 s3, s7;
	s7 =	simm.s32 @!p0 $0x108  }
0x21: {  	s3 =	sadd.s32 s3, s9;
	s6 =	sadd.s32 @!p0 $0x88, s6;
	s7 =	simm.s32 @p2 $0x1082  }
0x22: {  	[simem:s7], [sflag:s8] =	dma.local @!p0 [hbm:s6], $0xF7A  }
0x23: {  	s9 =	sor.u32 $0xD0000000, s2;
	s6 =	simm.s32 $0x108;
	_ =	swait.ge @!p0 [sflag:s8], $0x0  }
0x24: {  	s3 =	sadd.s32 $0x88, s3;
	s6 =	simm.s32 @!p1 $0x1082;
	[sflag:s4] =	ssyncset.s32 $0xFFFFF086  }
0x25: {  	[simem:s6], [sflag:s4] =	dma.local [hbm:s3], $0xF7A  }
0x26: {  	[smem:$0x3F9B] =	sst s1;
	(tag) =	ssettag s2;
	_ =	strace s9  }
0x27: {  	s1 =	sld [smem:$0x3FAB]  }
0x28: {  	s2 =	sld [smem:$0x3FAC]  }
0x29: {  	s4 =	sld [smem:$0x3FAE]  }
0x2a: {  	p0 =	seq.s32 s5, $0x0;
	s5 =	sld [smem:$0x3FAF]  }
0x2b: {  	s6 =	sld [smem:$0x3FB0]  }
0x2c: {  	s7 =	sld [smem:$0x3FB1]  }
0x2d: {  	s3 =	simm.s32 $0x108;
	s8 =	sld [smem:$0x3FB2]  }
0x2e: {  	s3 =	simm.s32 @!p0 $0x1082;
	s9 =	sld [smem:$0x3FB3]  }
0x2f: {  	lr =	sadd.s32 s0, s3;
	s0 =	sld [smem:$0x3FAA]  }
0x30: {  	s3 =	sld [smem:$0x3FAD]  }
0x31: {  	[smem:$0x3FB6] =	sst s10  }
0x32: {  	s10 =	sld [smem:$0x3FB4];
	_ =	sdelay $0x3  }
0x33: {  	p0 =	seq.s32 s10, $0x1;
	s10 =	sld [smem:$0x3FB6];
	_ =	sdelay $0x3  }
0x34: {  	[smem:$0x3FB6] =	sst s10  }
0x35: {  	s10 =	sld [smem:$0x3FB5];
	_ =	sdelay $0x3  }
0x36: {  	p1 =	seq.s32 s10, $0x1;
	s10 =	sld [smem:$0x3FB6];
	_ =	sdelay $0x3  }
0x37: {  	[smem:$0x3FB6] =	sst s10  }
0x38: {  	s10 =	sld [smem:$0x3FB7]  }
0x39: {  	_ = 	snop;
	(pc) =	sbr.ind lr, $3  }
0x3a: {  	_ = 	snop  }
0x3b: {  	_ = 	snop  }
0x3c: {  	p2 =	seq.s32 s10, $0x1;
	s10 =	sld [smem:$0x3FB6]  }
0x3d: {  	_ =	shalt  }
0x3e: {  	_ =	shalt  }
0x3f: {  	_ =	shalt  }
0x40: {  	_ =	shalt  }
0x41: {  	_ =	shalt  }
0x42: {  	_ =	shalt  }
0x43: {  	_ =	shalt  }
0x44: {  	_ =	shalt  }
0x45: {  	_ =	shalt  }
0x46: {  	_ =	shalt  }
0x47: {  	_ =	shalt  }
0x48: {  	_ =	shalt  }
0x49: {  	_ =	shalt  }
0x4a: {  	_ =	shalt  }
0x4b: {  	_ =	shalt  }
0x4c: {  	_ =	shalt  }
0x4d: {  	_ =	shalt  }
0x4e: {  	_ =	shalt  }
0x4f: {  	_ =	shalt  }
0x50: {  	_ =	shalt  }
0x51: {  	_ =	shalt  }
0x52: {  	_ =	shalt  }
0x53: {  	_ =	shalt  }
0x54: {  	_ =	shalt  }
0x55: {  	_ =	shalt  }
0x56: {  	_ =	shalt  }
0x57: {  	_ =	shalt  }
0x58: {  	_ =	shalt  }
0x59: {  	_ =	shalt  }
0x5a: {  	_ =	shalt  }
0x5b: {  	_ =	shalt  }
0x5c: {  	_ =	shalt  }
0x5d: {  	_ =	shalt  }
0x5e: {  	_ =	shalt  }
0x5f: {  	_ =	shalt  }
0x60: {  	_ =	shalt  }
0x61: {  	_ =	shalt  }
0x62: {  	_ =	shalt  }
0x63: {  	_ =	shalt  }
0x64: {  	_ =	shalt  }
0x65: {  	_ =	shalt  }
0x66: {  	_ =	shalt  }
0x67: {  	_ =	shalt  }
0x68: {  	_ =	shalt  }
0x69: {  	_ =	shalt  }
0x6a: {  	_ =	shalt  }
0x6b: {  	_ =	shalt  }
0x6c: {  	_ =	shalt  }
0x6d: {  	_ =	shalt  }
0x6e: {  	_ =	shalt  }
0x6f: {  	_ =	shalt  }
0x70: {  	_ =	shalt  }
0x71: {  	_ =	shalt  }
0x72: {  	_ =	shalt  }
0x73: {  	_ =	shalt  }
0x74: {  	_ =	shalt  }
0x75: {  	_ =	shalt  }
0x76: {  	_ =	shalt  }
0x77: {  	_ =	shalt  }
0x78: {  	_ =	shalt  }
0x79: {  	_ =	shalt  }
0x7a: {  	_ =	shalt  }
0x7b: {  	_ =	shalt  }
0x7c: {  	_ =	shalt  }
0x7d: {  	_ =	shalt  }
0x7e: {  	_ =	shalt  }
0x7f: {  	_ =	shalt  }
0x80: {  	_ =	shalt  }
0x81: {  	_ =	shalt  }
0x82: {  	_ =	shalt  }
0x83: {  	_ =	shalt  }
0x84: {  	_ =	shalt  }
0x85: {  	_ =	shalt  }
0x86: {  	_ =	shalt  }
0x87: {  	_ =	shalt  }
.Lfunc_end0:
.L_simem_size_0:
called_computation_lowered:
.L_overlay_start_0:
0x88: {  	s2 =	sld [smem:$0x3FD9]  }
0x89: {  	s3 =	sld [smem:$0x3FFE];
	_ =	sdelay $0x1  }
0x8a: {  	s1 =	srdreg.scid  }
0x8b: {  	s0 =	sand.u32 $0x1, s1  }
0x8c: {  	s16 =	sshll.u32 s0, $0xA;
	s2 =	sadd.s32 s3, s2  }
0x8d: {  	s2 =	sadd.s32 s2, s16  }
0x8e: {  	[smem:$0x3FC2] =	sst s2  }
0x8f: {  	_ = 	snop  }
0x90: {  	(tm) =	ssettm $0x1  }
0x91: {  	s17 =	sld [smem:$0x3FFB];
	_ =	sdelay $0x3  }
0x92: {  	_ =	strace s17  }
0x93: {  	s2 =	sld [smem:$0x3FFC];
	_ =	sdelay $0x3  }
0x94: {  	_ =	strace s2  }
0x95: {  	s2 =	sld [smem:$0x3FFD];
	_ =	sdelay $0x3  }
0x96: {  	_ =	strace s2  }
0x97: {  	_ =	strace $0x8FFFFFFF  }
0x98: {  	s18 =	sld [smem:$0x3FDB];
	_ =	sdelay $0x1  }
0x99: {  	s19 =	simm.s32 $_scs_section_size  }
0x9a: {  	s4 =	simm.s32 $_size__tile_overlayer_lowered;
	s5 =	simm.s32 $_tile_overlayer_lowered  }
0x9b: {  	s22 =	simm.s32 $0x1BFF;
	s21 =	sshll.u32 s5, $0x1;
	s2 =	sadd.s32 s19, s18  }
0x9c: {  	s6 =	simm.s32 $0x0;
	s20 =	sshll.u32 s4, $0x1;
	s4 =	sadd.s32 s21, s2  }
0x9d: {  	[timem:s6], [sflag:s22] =	dma.local [hbm:s4], s20  }
0x9e: {  	_ =	swait.ge [sflag:s22], s20  }
0x9f: {  	s3 =	ssub.s32 $0x0, s20;
	[sflag:s22] =	ssyncset.done $0x0  }
0xa0: {  	[sflag:s22] =	ssyncadd.s32 s3;
	_ =	sdelay $0x1  }
0xa1: {  	s23 =	simm.s32 $0x1B8B  }
0xa2: {  	_ =	swait.ge [sflag:s23], $0x1  }
0xa3: {  	[sflag:s23] =	ssyncset.done $0x0  }
0xa4: {  	s25 =	simm.s32 $0x1B8E;
	s24 =	sld [smem:$0x3FFE];
	[sflag:s23] =	ssyncadd.s32 $0xFFFFFFFF  }
0xa5: {  	s26 =	simm.s32 $execute0_lowered;
	[smem:$0x3FD2] =	sst s25  }
0xa6: {  	s4 =	sshll.u32 s26, $0x1;
	_ =	strace $0x80000046;
	[dreg:$0x1] =	wrdreg $0xFFFFFFFF  }
0xa7: {  	s28 =	simm.s32 $_size_execute0_lowered;
	s2 =	sadd.s32 s2, s4;
	[dreg:$0x0] =	wrdreg $0x0  }
0xa8: {  	s4 =	sshll.u32 s28, $0x1;
	[dreg:$0x2] =	wrdreg s2  }
0xa9: {  	[dreg:$0x3] =	wrdreg s4  }
0xaa: {  	[dreg:$0x4] =	wrdreg $0xC0  }
0xab: {  	_ =	task [dreg:s6], $0x5FFFF  }
0xac: {  	[dreg:$0x1] =	wrdreg $0xFFFFFFFF  }
0xad: {  	[dreg:$0x0] =	wrdreg $0x60  }
0xae: {  	[dreg:$0x2] =	wrdreg s24  }
0xaf: {  	[dreg:$0x3] =	wrdreg $0x4800  }
0xb0: {  	[dreg:$0x4] =	wrdreg $0x9  }
0xb1: {  	_ =	task.clear_ibuf [dreg:s6], $0x5FFFF;
	_ =	strace $0x90000046  }
0xb2: {  	s29 =	simm.s32 $0x9;
	_ =	strace $0x80000048  }
0xb3: {  	_ =	swait.ge [sflag:s29], $0x1  }
0xb4: {  	[sflag:s29] =	ssyncadd.s32 $0xFFFFFFFF  }
0xb5: {  	_ =	strace $0x90000048  }
0xb6: {  	_ =	sfence  }
0xb7: {  	s30 =	sld [smem:$0x0];
	_ =	sdelay $0x2  }
0xb8: {  	s31 =	sshll.u32 s1, $0xD;
	s1 =	sshrl.u32 s1, $0x2  }
0xb9: {  	s3 =	sand.u32 $0x4000, s31;
	s1 =	sadd.s32 s1, s30  }
0xba: {  	s0 =	sor.u32 s3, s0;
	s1 =	sshll.u32 s1, $0x11  }
0xbb: {  	s0 =	sor.u32 s1, s0  }
0xbc: {  	s0 =	sadd.s32 $0x8F2B, s0  }
0xbd: {  	[sflag:s0] =	ssyncadd.remote.s32 $0x1  }
0xbe: {  	_ =	sfence.sel $0xFFFF  }
0xbf: {  	[dreg:$0x0] =	wrdreg $0xFFFFFFFF;
	(pc) =	sbr.abs _section_cstart, $3  }
0xc0: {  	[dreg:$0x1] =	wrdreg $0xFFFFFFFF  }
0xc1: {  	_ =	task.clear_ibuf [dreg:s6], $0x2FFFF;
	_ =	strace $0x9FFFFFFF  }
0xc2: {  	(tm) =	ssettm $0x7FFFFFFF  }
0xc3: {  	_ =	shalt  }
tec
execute0_lowered:
.L_overlay_start_1:
0x0: {  	(tag) =	ssettag $0x1  }
0x1: {  	s5 =	rddreg [dreg:$0x0]  }
0x2: {  	s1 =	rddreg [dreg:$0x1]  }
0x3: {  	s3 =	simm.s32 $0x0;
	s4 =	srdreg.scid;
	s0 =	stileid.u32  }
0x4: {  	s14 =	simm.s32 $0x4;
	s15 =	simm.s32 $0x80;
	s16 =	simm.s32 $0x100  }
0x5: {  	s17 =	simm.s32 $0x1;
	s18 =	simm.s32 $0x50;
	s19 =	simm.s32 $0x180  }
0x6: {  	s20 =	simm.s32 $0x5;
	s21 =	simm.s32 $0x2;
	s28 =	simm.s32 $0x0  }
0x7: {  	[smem:$0x7FF] =	sst s3;
	s6 =	sand.u32 $0x1, s4;
	s7 =	smul.u32 $0x500, s0  }
0x8: {  	s4 =	sadd.s32 $0x2400, s5;
	s9 =	sshll.u32 s0, $0x1;
	s23 =	smul.u32 $0xA00, s0  }
0x9: {  	s12 =	smul.u32 $0x4E20, s0;
	_ =	strace $0x80000047;
	s8 =	sshll.u32 s6, $0x7  }
0xa: {  	s22 =	sor.u32 s6, s9;
	s10 =	ssub.s32 $0x2, s6;
	s26 =	smul.u32 $0x2710, s6  }
0xb: {  	s7 =	sor.u32 s8, s7;
	s8 =	smul.u32 $0x2710, s22;
	s24 =	sshrl.u32 s10, $0x1  }
0xc: {  	s25 =	sshrl.u32 s23, $0x2;
	s23 =	sshll.u32 s0, $0x6;
	s22 =	simm.s32 $0x3  }
0xd: {  	s7 =	sshrl.u32 s7, $0x3;
	s10 =	ssub.s32 s10, s24;
	s29 =	sadd.s32 s26, s12  }
0xe: {  	s23 =	sor.u32 $0x1C04, s23;
	s26 =	simm.s32 $0x10;
	s11 =	sadd.s32 s7, s5  }
0xf: {  	s8 =	sshrl.u32 s8, $0x3;
	s5 =	sadd.s32 s25, s1;
	s9 =	smax.u32 s10, $0x1  }
0x10: {  	s12 =	sadd.s32 $0x140, s29;
	s13 =	sadd.s32 $0xA0, s29;
	s10 =	sadd.s32 $0xF0, s29  }
0x11: {  	s25 =	simm.s32 $0x20;
	s6 =	sadd.s32 s4, s8;
	s8 =	sadd.s32 $0xC200, s11  }
0x12: {  	s30 =	sshrl.u32 s12, $0x3;
	s31 =	sshrl.u32 s13, $0x3;
	s24 =	sshrl.u32 s5, $0x3  }
0x13: {  	v0 =	vimm.f32 $0.0e+00;
	v1 =	vimm.f32 $1.000000000e+00;
	s7 =	sadd.s32 $0xA, s6;
	s11 =	sadd.s32 s30, s4;
	s12 =	sadd.s32 s31, s4  }
.LBB2_1:
0x14: {  	[tilespmem:$0x200] =	vst v0  }
0x15: {  	[tilespmem:$0x210] =	vst v0  }
0x16: {  	[tilespmem:$0x220] =	vst v0  }
0x17: {  	[tilespmem:$0x230] =	vst v0  }
0x18: {  	[tilespmem:$0x240] =	vst v0  }
0x19: {  	[tilespmem:$0x250] =	vst v0  }
0x1a: {  	[tilespmem:$0x260] =	vst v0  }
0x1b: {  	[tilespmem:$0x270] =	vst v0  }
0x1c: {  	[tilespmem:$0x280] =	vst v0  }
0x1d: {  	[tilespmem:$0x290] =	vst v0  }
0x1e: {  	[tilespmem:$0x2A0] =	vst v0  }
0x1f: {  	[tilespmem:$0x2B0] =	vst v0  }
0x20: {  	[tilespmem:$0x2C0] =	vst v0  }
0x21: {  	[tilespmem:$0x2D0] =	vst v0  }
0x22: {  	[tilespmem:$0x2E0] =	vst v0  }
0x23: {  	[tilespmem:$0x2F0] =	vst v0  }
0x24: {  	[tilespmem:$0x300] =	vst v0  }
0x25: {  	[tilespmem:$0x310] =	vst v0  }
0x26: {  	[tilespmem:$0x320] =	vst v0  }
0x27: {  	[tilespmem:$0x330] =	vst v0  }
0x28: {  	[tilespmem:$0x340] =	vst v0  }
0x29: {  	[tilespmem:$0x350] =	vst v0  }
0x2a: {  	[tilespmem:$0x360] =	vst v0  }
0x2b: {  	[tilespmem:$0x370] =	vst v0  }
0x2c: {  	[tilespmem:$0x380] =	vst v0  }
0x2d: {  	[tilespmem:$0x390] =	vst v0  }
0x2e: {  	[tilespmem:$0x3A0] =	vst v0  }
0x2f: {  	[tilespmem:$0x3B0] =	vst v0  }
0x30: {  	[tilespmem:$0x3C0] =	vst v0  }
0x31: {  	[tilespmem:$0x3D0] =	vst v0  }
0x32: {  	[tilespmem:$0x3E0] =	vst v0  }
0x33: {  	[tilespmem:$0x3F0] =	vst v0  }
0x34: {  	[tilespmem:$0x400] =	vst v0  }
0x35: {  	[tilespmem:$0x410] =	vst v0  }
0x36: {  	[tilespmem:$0x420] =	vst v0  }
0x37: {  	[tilespmem:$0x430] =	vst v0  }
0x38: {  	[tilespmem:$0x440] =	vst v0  }
0x39: {  	[tilespmem:$0x450] =	vst v0  }
0x3a: {  	[tilespmem:$0x460] =	vst v0  }
0x3b: {  	[tilespmem:$0x470] =	vst v0  }
0x3c: {  	[tilespmem:$0x180] =	vst v1  }
0x3d: {  	[tilespmem:$0x190] =	vst v1  }
0x3e: {  	[tilespmem:$0x1A0] =	vst v1  }
0x3f: {  	[tilespmem:$0x1B0] =	vst v1  }
0x40: {  	[tilespmem:$0x1C0] =	vst v1;
	s0 =	simm.s32 $0x200  }
0x41: {  	[spmem:s5] =	stream.linear.scatter [tilespmem:s0], [sflag:$0x4], $0x280, $0x38;
	[tilespmem:$0x700] =	vst v63  }
0x42: {  	_ =	swait.ge [sflag:s14], $0x280  }
0x43: {  	[sflag:s14] =	ssyncset.done $0x0  }
0x44: {  	[sflag:s14] =	ssyncadd.s32 $0xFFFFFD80  }
0x45: {  	[bflag:$0x0] =	sbarrier.arrive $0xFFFF  }
0x46: {  	[tilespmem:s3], [sflag:$0x1] =	stream.linear.gather [hbm4b:s6+s3], $0x50, $0x38;
	[tilespmem:$0x700] =	vst v63  }
0x47: {  	_ = 	snop  }
0x48: {  	[tilespmem:s15], [sflag:$0x2] =	stream.linear.gather [hbm4b:s7+s3], $0x50, $0x38;
	[tilespmem:$0x700] =	vst v63  }
0x49: {  	s29 =	sadd.s32 $0x0, s12  }
0x4a: {  	[tilespmem:s16], [sflag:$0x3] =	stream.linear.gather [hbm4b:s29+s3], $0x50, $0x38;
	[tilespmem:$0x700] =	vst v63  }
0x4b: {  	_ =	swait.ge [sflag:s17], $0x50  }
0x4c: {  	[sflag:s17] =	ssyncset.done $0x0  }
0x4d: {  	[sflag:s17] =	ssyncadd.s32 $0xFFFFFFB0  }
0x4e: {  	[spmem:s1] =	stream.indirect.scatter.add.f32 [tilespmem:s19], [sflag:$0x5], $0x1, s3, s18, $0xb8;
	[tilespmem:$0x700] =	vst v63  }
0x4f: {  	_ =	swait.ge [sflag:s20], $0x50  }
0x50: {  	s29 =	sshrl.u32 s10, $0x3;
	[sflag:s20] =	ssyncset.done $0x0  }
0x51: {  	s29 =	sadd.s32 s4, s29;
	[sflag:s20] =	ssyncadd.s32 $0xFFFFFFB0  }
0x52: {  	[tilespmem:s3], [sflag:$0x1] =	stream.linear.gather [hbm4b:s29+s3], $0x50, $0x38;
	[tilespmem:$0x700] =	vst v63  }
0x53: {  	_ =	swait.ge [sflag:s21], $0x50  }
0x54: {  	[sflag:s21] =	ssyncset.done $0x0  }
0x55: {  	[sflag:s21] =	ssyncadd.s32 $0xFFFFFFB0  }
0x56: {  	[spmem:s1] =	stream.indirect.scatter.add.f32 [tilespmem:s19], [sflag:$0x5], $0x1, s15, s18, $0xb8;
	[tilespmem:$0x700] =	vst v63  }
0x57: {  	_ =	swait.ge [sflag:s20], $0x50  }
0x58: {  	[sflag:s20] =	ssyncset.done $0x0  }
0x59: {  	s29 =	sadd.s32 $0x0, s11;
	[sflag:s20] =	ssyncadd.s32 $0xFFFFFFB0  }
0x5a: {  	[tilespmem:s15], [sflag:$0x2] =	stream.linear.gather [hbm4b:s29+s3], $0x50, $0x38;
	[tilespmem:$0x700] =	vst v63  }
0x5b: {  	_ =	swait.ge [sflag:s22], $0x50  }
0x5c: {  	[sflag:s22] =	ssyncset.done $0x0  }
0x5d: {  	[sflag:s22] =	ssyncadd.s32 $0xFFFFFFB0  }
0x5e: {  	[spmem:s1] =	stream.indirect.scatter.add.f32 [tilespmem:s19], [sflag:$0x4], $0x1, s16, s18, $0xb8;
	[tilespmem:$0x700] =	vst v63  }
0x5f: {  	s31 =	simm.s32 $0x3C;
	_ =	swait.ge [sflag:s14], $0x50  }
0x60: {  	s30 =	sadd.s32 $0xF0, s10;
	s29 =	simm.s32 $0x1E;
	[sflag:s14] =	ssyncset.done $0x0  }
.LBB2_2:
0x61: {  	s0 =	sadd.s32 s29, s12  }
0x62: {  	[sflag:s14] =	ssyncadd.s32 $0xFFFFFFB0;
	s2 =	smov.u32 s31;
	s13 =	sadd.s32 $0x1E, s31  }
0x63: {  	[tilespmem:s16], [sflag:$0x3] =	stream.linear.gather [hbm4b:s0+s3], $0x50, $0x38;
	[tilespmem:$0x700] =	vst v63  }
0x64: {  	p0 =	sne.s32 s31, $0x4B0;
	_ =	swait.ge [sflag:s17], $0x50  }
0x65: {  	[sflag:s17] =	ssyncset.done $0x0  }
0x66: {  	[sflag:s17] =	ssyncadd.s32 $0xFFFFFFB0  }
0x67: {  	[spmem:s1] =	stream.indirect.scatter.add.f32 [tilespmem:s19], [sflag:$0x5], $0x1, s3, s18, $0xb8;
	[tilespmem:$0x700] =	vst v63  }
0x68: {  	_ =	swait.ge [sflag:s20], $0x50  }
0x69: {  	s0 =	sshrl.u32 s30, $0x3;
	[sflag:s20] =	ssyncset.done $0x0  }
0x6a: {  	s0 =	sadd.s32 s4, s0;
	[sflag:s20] =	ssyncadd.s32 $0xFFFFFFB0  }
0x6b: {  	[tilespmem:s3], [sflag:$0x1] =	stream.linear.gather [hbm4b:s0+s3], $0x50, $0x38;
	[tilespmem:$0x700] =	vst v63  }
0x6c: {  	_ =	swait.ge [sflag:s21], $0x50  }
0x6d: {  	[sflag:s21] =	ssyncset.done $0x0  }
0x6e: {  	[sflag:s21] =	ssyncadd.s32 $0xFFFFFFB0  }
0x6f: {  	[spmem:s1] =	stream.indirect.scatter.add.f32 [tilespmem:s19], [sflag:$0x5], $0x1, s15, s18, $0xb8;
	[tilespmem:$0x700] =	vst v63  }
0x70: {  	_ =	swait.ge [sflag:s20], $0x50  }
0x71: {  	[sflag:s20] =	ssyncset.done $0x0  }
0x72: {  	s0 =	sadd.s32 s29, s11;
	s29 =	smov.u32 s2;
	[sflag:s20] =	ssyncadd.s32 $0xFFFFFFB0  }
0x73: {  	[tilespmem:s15], [sflag:$0x2] =	stream.linear.gather [hbm4b:s0+s3], $0x50, $0x38;
	[tilespmem:$0x700] =	vst v63  }
0x74: {  	_ =	swait.ge [sflag:s22], $0x50  }
.Ltmp0:
0x75: {  	[sflag:s22] =	ssyncset.done $0x0;
	(pc) =	sbr.rel @p0 .LBB2_2-.Ltmp0, $4  }
0x76: {  	[sflag:s22] =	ssyncadd.s32 $0xFFFFFFB0  }
0x77: {  	[spmem:s1] =	stream.indirect.scatter.add.f32 [tilespmem:s19], [sflag:$0x4], $0x1, s16, s18, $0xb8;
	[tilespmem:$0x700] =	vst v63  }
0x78: {  	_ =	swait.ge [sflag:s14], $0x50  }
0x79: {  	s30 =	sadd.s32 $0xF0, s30;
	s31 =	smov.u32 s13;
	[sflag:s14] =	ssyncset.done $0x0  }
0x7a: {  	s0 =	sadd.s32 s29, s12;
	[sflag:s14] =	ssyncadd.s32 $0xFFFFFFB0  }
0x7b: {  	[tilespmem:s16], [sflag:$0x3] =	stream.linear.gather [hbm4b:s0+s3], $0x50, $0x38;
	[tilespmem:$0x700] =	vst v63  }
0x7c: {  	_ =	swait.ge [sflag:s17], $0x50  }
0x7d: {  	[sflag:s17] =	ssyncset.done $0x0  }
0x7e: {  	[sflag:s17] =	ssyncadd.s32 $0xFFFFFFB0  }
0x7f: {  	[spmem:s1] =	stream.indirect.scatter.add.f32 [tilespmem:s19], [sflag:$0x5], $0x1, s3, s18, $0xb8;
	[tilespmem:$0x700] =	vst v63  }
0x80: {  	_ =	swait.ge [sflag:s20], $0x50  }
0x81: {  	s30 =	sshrl.u32 s30, $0x3;
	[sflag:s20] =	ssyncset.done $0x0  }
0x82: {  	s0 =	sadd.s32 s4, s30;
	[sflag:s20] =	ssyncadd.s32 $0xFFFFFFB0  }
0x83: {  	[tilespmem:s3], [sflag:$0x1] =	stream.linear.gather [hbm4b:s0+s3], $0x50, $0x38;
	[tilespmem:$0x700] =	vst v63  }
0x84: {  	_ =	swait.ge [sflag:s21], $0x50  }
0x85: {  	[sflag:s21] =	ssyncset.done $0x0  }
0x86: {  	[sflag:s21] =	ssyncadd.s32 $0xFFFFFFB0  }
0x87: {  	[spmem:s1] =	stream.indirect.scatter.add.f32 [tilespmem:s19], [sflag:$0x5], $0x1, s15, s18, $0xb8;
	[tilespmem:$0x700] =	vst v63  }
0x88: {  	_ =	swait.ge [sflag:s20], $0x50  }
0x89: {  	[sflag:s20] =	ssyncset.done $0x0  }
0x8a: {  	s31 =	sadd.s32 s29, s11;
	[sflag:s20] =	ssyncadd.s32 $0xFFFFFFB0  }
0x8b: {  	[tilespmem:s15], [sflag:$0x2] =	stream.linear.gather [hbm4b:s31+s3], $0x50, $0x38;
	[tilespmem:$0x700] =	vst v63  }
0x8c: {  	_ =	swait.ge [sflag:s22], $0x50  }
0x8d: {  	[sflag:s22] =	ssyncset.done $0x0  }
0x8e: {  	[sflag:s22] =	ssyncadd.s32 $0xFFFFFFB0  }
0x8f: {  	[spmem:s1] =	stream.indirect.scatter.add.f32 [tilespmem:s19], [sflag:$0x4], $0x1, s16, s18, $0xb8;
	[tilespmem:$0x700] =	vst v63  }
0x90: {  	_ =	swait.ge [sflag:s14], $0x50  }
0x91: {  	[sflag:s14] =	ssyncset.done $0x0  }
0x92: {  	[sflag:s14] =	ssyncadd.s32 $0xFFFFFFB0  }
0x93: {  	_ =	swait.ge [sflag:s17], $0x50  }
0x94: {  	[sflag:s17] =	ssyncset.done $0x0  }
0x95: {  	[sflag:s17] =	ssyncadd.s32 $0xFFFFFFB0  }
0x96: {  	[spmem:s1] =	stream.indirect.scatter.add.f32 [tilespmem:s19], [sflag:$0x5], $0x1, s3, s18, $0xb8;
	[tilespmem:$0x700] =	vst v63  }
0x97: {  	_ =	swait.ge [sflag:s20], $0x50  }
0x98: {  	[sflag:s20] =	ssyncset.done $0x0  }
0x99: {  	[sflag:s20] =	ssyncadd.s32 $0xFFFFFFB0  }
0x9a: {  	_ =	swait.ge [sflag:s21], $0x50  }
0x9b: {  	[sflag:s21] =	ssyncset.done $0x0  }
0x9c: {  	[sflag:s21] =	ssyncadd.s32 $0xFFFFFFB0  }
0x9d: {  	[spmem:s1] =	stream.indirect.scatter.add.f32 [tilespmem:s19], [sflag:$0x5], $0x1, s15, s18, $0xb8;
	[tilespmem:$0x700] =	vst v63  }
0x9e: {  	_ =	swait.ge [sflag:s20], $0x50  }
0x9f: {  	s28 =	sadd.s32 $0x1, s28;
	[sflag:s20] =	ssyncset.done $0x0  }
0xa0: {  	p0 =	sne.s32 s28, s9;
	[sflag:s20] =	ssyncadd.s32 $0xFFFFFFB0  }
.Ltmp1:
0xa1: {  	[bflag:$0x0] =	sbarrier.arrive $0xFFFF;
	(pc) =	sbr.rel @p0 .LBB2_1-.Ltmp1, $4  }
0xa2: {  	[hbm:s8@s25], [sflag:s23] =	dma.strided [spmem:s24@s26], $0x50, s17, $0x10   }
0xa3: {  	_ =	swait.ge [sflag:s14], $0x50  }
0xa4: {  	[sflag:s14] =	ssyncset.done $0x0  }
0xa5: {  	[sflag:s14] =	ssyncadd.s32 $0xFFFFFFB0  }
0xa6: {  	_ =	sfence.sel $0x180000  }
0xa7: {  	[bflag:$0x0] =	sbarrier.arrive $0xFFFF  }
0xa8: {  	_ =	strace $0x90000047  }
0xa9: {  	s0 =	stileid.u32;
	[bflag:$0x2] =	sbarrier.arrive $0xFFFF  }
0xaa: {  	p0 =	sne.s32 s0, $0x0;
	s0 =	rddreg [dreg:$0x2]  }
0xab: {  	s0 =	sadd.s32 @!p0 $0x100000, s0  }
0xac: {  	[sflag:s0] =	ssyncadd.tile.s32 @!p0 $0x1;
	_ =	shalt  }
.Lfunc_end2:
_tile_overlayer_lowered:
.L_overlay_start_2:
0xad: {  	(tag) =	ssettag $0x2  }
0xae: {  	s0 =	rddreg [dreg:$0x0];
	s2 =	stileid.u32  }
0xaf: {  	s1 =	rddreg [dreg:$0x1];
	p0 =	sne.s32 s2, $0x0  }
0xb0: {  	s3 =	rddreg [dreg:$0x2];
	[bflag:$0x3] =	sbarrier.arrive $0xFFFF;
	s2 =	simm.s32 @!p0 $0x1C04  }
0xb1: {  	[timem:s3], [sflag:s2] =	dma.local @!p0 [hbm:s0], s1  }
0xb2: {  	s0 =	simm.s32 @!p0 $0x4  }
0xb3: {  	_ =	swait.ge @!p0 [sflag:s0], s1  }
0xb4: {  	s1 =	ssub.s32 @!p0 $0x0, s1;
	[sflag:s0] =	ssyncset.done @!p0 $0x0  }
0xb5: {  	[sflag:s0] =	ssyncadd.s32 @!p0 s1  }
0xb6: {  	[bflag:$0x3] =	sbarrier.arrive $0xFFFF  }
0xb7: {  	_ =	shalt  }

</sc_bundles>
